<compile_context>
chip_gen: v7x
topology: tpu7x:2x2x1
jax: 0.10.2.dev20260603
libtpu: 0.0.44.dev20260713+nightly
codegen_flags: <defaults>
</compile_context>

<pallas_src>
import functools

import jax
import jax.numpy as jnp
from jax import lax
from jax.experimental import pallas as pl
from jax.experimental.pallas import tpu as pltpu
from jax.experimental.pallas import tpu_sc as plsc

VOCAB = 100000
DIM = 128
BATCH = 4096
SEQ = 50

NC = 2
NS = 16
NW = NC * NS
RPW = BATCH // NW
HALF = 64
NCHUNK = SEQ * 2
NBUF = 10
NGROUP = NCHUNK // NBUF

_mesh = plsc.VectorSubcoreMesh(core_axis_name="c", subcore_axis_name="s")


@functools.partial(
    pl.kernel,
    out_type=jax.ShapeDtypeStruct((SEQ, BATCH, DIM), jnp.float32),
    mesh=_mesh,
    scratch_types=[
        pltpu.VMEM((SEQ, RPW), jnp.int32),
        [pltpu.VMEM((HALF, DIM), jnp.float32) for _ in range(NBUF)],
        [pltpu.SemaphoreType.DMA for _ in range(NBUF)],
        [pltpu.SemaphoreType.DMA for _ in range(NBUF)],
    ],
)
def _gather_kernel(idx_hbm, table_hbm, out_hbm, idx_v, bufs, gsems, ssems):
    wid = lax.axis_index("s") * NC + lax.axis_index("c")
    base = wid * RPW
    pltpu.sync_copy(idx_hbm.at[wid], idx_v)

    def fire_gather(c, b):
        s, h = c // 2, c % 2
        return pltpu.async_copy(
            table_hbm.at[idx_v.at[s, pl.ds(h * HALF, HALF)]], bufs[b], gsems[b])

    def fire_scatter(c, b):
        s, h = c // 2, c % 2
        return pltpu.async_copy(
            bufs[b], out_hbm.at[s, pl.ds(base + h * HALF, HALF)], ssems[b])

    def wait_scatter(b):
        pltpu.make_async_copy(bufs[b], out_hbm.at[0, pl.ds(base, HALF)], ssems[b]).wait()

    gds = [fire_gather(b, b) for b in range(NBUF)]
    for b in range(NBUF):
        gds[b].wait()
        fire_scatter(b, b)

    def body(g, carry):
        gds = []
        for b in range(NBUF):
            wait_scatter(b)
            gds.append(fire_gather(g * NBUF + b, b))
        for b in range(NBUF):
            gds[b].wait()
            fire_scatter(g * NBUF + b, b)
        return carry

    lax.fori_loop(1, NGROUP, body, 0)

    for b in range(NBUF):
        wait_scatter(b)


def kernel(idx, embedding_table):
    idx_tr = jnp.transpose(idx.reshape(NW, RPW, SEQ), (0, 2, 1))
    out = _gather_kernel(idx_tr, embedding_table)
    return out.transpose(1, 0, 2)

# --- scband reference (transcript-rebuilt; emitter-appended) ---
"""Pipeline reference for scband-htpword-embedding-2018634629862 (READ-ONLY COPY).

The authoritative reference and input builder live on the scoring server;
editing this copy changes nothing except your own understanding.
"""

import jax, jax.numpy as jnp
import numpy as np
import math

VOCAB = 100000
DIM = 128
BATCH = 4096
SEQ = 50


def _first_n_primes(n):
    primes = []
    candidate = 2
    while len(primes) < n:
        is_prime = all(candidate % p != 0 for p in primes if p * p <= candidate)
        if is_prime:
            primes.append(candidate)
        candidate += 1
    return primes


def _build_table(vocab, dim):
    # HTP table: each vocab id is treated as its integer N (stand-in for the
    # base-65536 word integer). emb(N) = [sin(N%p * 2pi/p), cos(N%p * 2pi/p)] over k primes.
    k = dim // 2
    primes = np.array(_first_n_primes(k), dtype=np.float64)
    N = np.arange(vocab, dtype=np.float64)
    residues = np.mod(N[:, None], primes[None, :])
    freq = (2.0 * math.pi / primes)[None, :]
    theta = residues * freq
    table = np.concatenate([np.sin(theta), np.cos(theta)], axis=1).astype(np.float32)
    return jnp.asarray(table)


def setup_inputs(seed: int = 0) -> dict:
    key = jax.random.key(seed)
    idx = jax.random.randint(key, (BATCH, SEQ), 0, VOCAB, dtype=jnp.int32)
    embedding_table = _build_table(VOCAB, DIM)
    return {"idx": idx, "embedding_table": embedding_table}


def reference(idx, embedding_table):
    # forward: pure lookup into the precomputed HTP table
    return jnp.take(embedding_table, idx, axis=0)

if __name__ == "__main__":
    import jax
    _d = setup_inputs()
    print(jax.jit(kernel)(*tuple(_d.values())))

</pallas_src>

<mosaic_0001>
#map = affine_map<(d0, d1) -> (0, 0, 0)>
#map1 = affine_map<(d0, d1) -> (0, 0)>
module attributes {stable_mosaic.version = 14 : i64} {
  func.func @_gather_kernel(%arg0: i32, %arg1: i32, %arg2: memref<32x50x128xi32, #tpu.memory_space<hbm>>, %arg3: memref<100000x128xf32, #tpu.memory_space<hbm>>, %arg4: memref<50x4096x128xf32, #tpu.memory_space<hbm>>, %arg5: memref<50x128xi32, #tpu.memory_space<vmem>>, %arg6: memref<64x128xf32, #tpu.memory_space<vmem>>, %arg7: memref<64x128xf32, #tpu.memory_space<vmem>>, %arg8: memref<64x128xf32, #tpu.memory_space<vmem>>, %arg9: memref<64x128xf32, #tpu.memory_space<vmem>>, %arg10: memref<64x128xf32, #tpu.memory_space<vmem>>, %arg11: memref<64x128xf32, #tpu.memory_space<vmem>>, %arg12: memref<64x128xf32, #tpu.memory_space<vmem>>, %arg13: memref<64x128xf32, #tpu.memory_space<vmem>>, %arg14: memref<64x128xf32, #tpu.memory_space<vmem>>, %arg15: memref<64x128xf32, #tpu.memory_space<vmem>>, %arg16: memref<!tpu.dma_semaphore, #tpu.memory_space<semaphore_mem>>, %arg17: memref<!tpu.dma_semaphore, #tpu.memory_space<semaphore_mem>>, %arg18: memref<!tpu.dma_semaphore, #tpu.memory_space<semaphore_mem>>, %arg19: memref<!tpu.dma_semaphore, #tpu.memory_space<semaphore_mem>>, %arg20: memref<!tpu.dma_semaphore, #tpu.memory_space<semaphore_mem>>, %arg21: memref<!tpu.dma_semaphore, #tpu.memory_space<semaphore_mem>>, %arg22: memref<!tpu.dma_semaphore, #tpu.memory_space<semaphore_mem>>, %arg23: memref<!tpu.dma_semaphore, #tpu.memory_space<semaphore_mem>>, %arg24: memref<!tpu.dma_semaphore, #tpu.memory_space<semaphore_mem>>, %arg25: memref<!tpu.dma_semaphore, #tpu.memory_space<semaphore_mem>>, %arg26: memref<!tpu.dma_semaphore, #tpu.memory_space<semaphore_mem>>, %arg27: memref<!tpu.dma_semaphore, #tpu.memory_space<semaphore_mem>>, %arg28: memref<!tpu.dma_semaphore, #tpu.memory_space<semaphore_mem>>, %arg29: memref<!tpu.dma_semaphore, #tpu.memory_space<semaphore_mem>>, %arg30: memref<!tpu.dma_semaphore, #tpu.memory_space<semaphore_mem>>, %arg31: memref<!tpu.dma_semaphore, #tpu.memory_space<semaphore_mem>>, %arg32: memref<!tpu.dma_semaphore, #tpu.memory_space<semaphore_mem>>, %arg33: memref<!tpu.dma_semaphore, #tpu.memory_space<semaphore_mem>>, %arg34: memref<!tpu.dma_semaphore, #tpu.memory_space<semaphore_mem>>, %arg35: memref<!tpu.dma_semaphore, #tpu.memory_space<semaphore_mem>>) attributes {dimension_semantics = [#tpu.dimension_semantics<core_parallel>, #tpu.dimension_semantics<subcore_parallel>], iteration_bounds = array<i64: 2, 16>, scalar_prefetch = 0 : i64, scratch_operands = 31 : i64, tpu.core_type = #tpu.core_type<sc_vector_subcore>, window_params = [{transform_indices = #map}, {transform_indices = #map1}, {transform_indices = #map}]} {
    %mul3A = arith.constant 2 : i32
    %mul3A_0 = arith.muli %arg1, %mul3A : i32
    %add3A = arith.addi %mul3A_0, %arg0 : i32
    %mul3A_1 = arith.constant 128 : i32
    %mul3A_2 = arith.muli %add3A, %mul3A_1 : i32
    "tpu.region"() ({
      %run_scoped3A = tpu.sem_alloc : memref<!tpu.dma_semaphore, #tpu.memory_space<semaphore_mem>>
      %dma_start3A_306 = arith.constant 0 : i32
      %dma_start3A_307 = arith.constant 0 : i32
      %dma_start3A_308 = tpu.memref_slice %arg2[%add3A, %dma_start3A_306, %dma_start3A_307] : memref<32x50x128xi32, #tpu.memory_space<hbm>> -> memref<1x50x128xi32, #tpu.memory_space<hbm>>
      %dma_start3A_309 = tpu.memref_squeeze %dma_start3A_308 : memref<1x50x128xi32, #tpu.memory_space<hbm>> -> memref<50x128xi32, #tpu.memory_space<hbm>>
      %dma_start3A_310 = arith.constant 0 : i32
      %dma_start3A_311 = arith.constant 0 : i32
      %dma_start3A_312 = tpu.memref_slice %arg2[%add3A, %dma_start3A_310, %dma_start3A_311] : memref<32x50x128xi32, #tpu.memory_space<hbm>> -> memref<1x50x128xi32, #tpu.memory_space<hbm>>
      %dma_start3A_313 = tpu.memref_squeeze %dma_start3A_312 : memref<1x50x128xi32, #tpu.memory_space<hbm>> -> memref<50x128xi32, #tpu.memory_space<hbm>>
      tpu.enqueue_dma source(%dma_start3A_313 : memref<50x128xi32, #tpu.memory_space<hbm>>) target(%arg5 : memref<50x128xi32, #tpu.memory_space<vmem>>) target_semaphore(%run_scoped3A : memref<!tpu.dma_semaphore, #tpu.memory_space<semaphore_mem>>)
      %dma_wait3A_314 = arith.constant 0 : i32
      %dma_wait3A_315 = arith.constant 0 : i32
      %dma_wait3A_316 = tpu.memref_slice %arg2[%add3A, %dma_wait3A_314, %dma_wait3A_315] : memref<32x50x128xi32, #tpu.memory_space<hbm>> -> memref<1x50x128xi32, #tpu.memory_space<hbm>>
      %dma_wait3A_317 = tpu.memref_squeeze %dma_wait3A_316 : memref<1x50x128xi32, #tpu.memory_space<hbm>> -> memref<50x128xi32, #tpu.memory_space<hbm>>
      %dma_wait3A_318 = arith.constant 0 : i32
      %dma_wait3A_319 = arith.constant 0 : i32
      %dma_wait3A_320 = tpu.memref_slice %arg2[%add3A, %dma_wait3A_318, %dma_wait3A_319] : memref<32x50x128xi32, #tpu.memory_space<hbm>> -> memref<1x50x128xi32, #tpu.memory_space<hbm>>
      %dma_wait3A_321 = tpu.memref_squeeze %dma_wait3A_320 : memref<1x50x128xi32, #tpu.memory_space<hbm>> -> memref<50x128xi32, #tpu.memory_space<hbm>>
      tpu.wait_dma2 semaphore(%run_scoped3A : memref<!tpu.dma_semaphore, #tpu.memory_space<semaphore_mem>>) src(%dma_wait3A_321 : memref<50x128xi32, #tpu.memory_space<hbm>>) dst(%arg5 : memref<50x128xi32, #tpu.memory_space<vmem>>)
      tpu.yield
    }) : () -> ()
    %dma_start3A = arith.constant 0 : i32
    %dma_start3A_3 = arith.constant 0 : i32
    %dma_start3A_4 = tpu.memref_slice %arg5[%dma_start3A, %dma_start3A_3] : memref<50x128xi32, #tpu.memory_space<vmem>> -> memref<1x64xi32, #tpu.memory_space<vmem>>
    %dma_start3A_5 = tpu.memref_squeeze %dma_start3A_4 : memref<1x64xi32, #tpu.memory_space<vmem>> -> memref<64xi32, #tpu.memory_space<vmem>>
    %dma_start3A_6 = arith.constant 0 : i32
    %dma_start3A_7 = arith.constant 0 : i32
    %dma_start3A_8 = tpu.memref_slice %arg3[%dma_start3A_6, %dma_start3A_7] : memref<100000x128xf32, #tpu.memory_space<hbm>> -> memref<100000x128xf32, #tpu.memory_space<hbm>>
    tpu.enqueue_indirect_dma source(%dma_start3A_8 : memref<100000x128xf32, #tpu.memory_space<hbm>>) target(%arg6 : memref<64x128xf32, #tpu.memory_space<vmem>>) offsets(%dma_start3A_5 : memref<64xi32, #tpu.memory_space<vmem>>) semaphore(%arg16 : memref<!tpu.dma_semaphore, #tpu.memory_space<semaphore_mem>>)
    %dma_start3A_9 = arith.constant 0 : i32
    %dma_start3A_10 = arith.constant 64 : i32
    %dma_start3A_11 = tpu.memref_slice %arg5[%dma_start3A_9, %dma_start3A_10] : memref<50x128xi32, #tpu.memory_space<vmem>> -> memref<1x64xi32, #tpu.memory_space<vmem>>
    %dma_start3A_12 = tpu.memref_squeeze %dma_start3A_11 : memref<1x64xi32, #tpu.memory_space<vmem>> -> memref<64xi32, #tpu.memory_space<vmem>>
    %dma_start3A_13 = arith.constant 0 : i32
    %dma_start3A_14 = arith.constant 0 : i32
    %dma_start3A_15 = tpu.memref_slice %arg3[%dma_start3A_13, %dma_start3A_14] : memref<100000x128xf32, #tpu.memory_space<hbm>> -> memref<100000x128xf32, #tpu.memory_space<hbm>>
    tpu.enqueue_indirect_dma source(%dma_start3A_15 : memref<100000x128xf32, #tpu.memory_space<hbm>>) target(%arg7 : memref<64x128xf32, #tpu.memory_space<vmem>>) offsets(%dma_start3A_12 : memref<64xi32, #tpu.memory_space<vmem>>) semaphore(%arg17 : memref<!tpu.dma_semaphore, #tpu.memory_space<semaphore_mem>>)
    %dma_start3A_16 = arith.constant 1 : i32
    %dma_start3A_17 = arith.constant 0 : i32
    %dma_start3A_18 = tpu.memref_slice %arg5[%dma_start3A_16, %dma_start3A_17] : memref<50x128xi32, #tpu.memory_space<vmem>> -> memref<1x64xi32, #tpu.memory_space<vmem>>
    %dma_start3A_19 = tpu.memref_squeeze %dma_start3A_18 : memref<1x64xi32, #tpu.memory_space<vmem>> -> memref<64xi32, #tpu.memory_space<vmem>>
    %dma_start3A_20 = arith.constant 0 : i32
    %dma_start3A_21 = arith.constant 0 : i32
    %dma_start3A_22 = tpu.memref_slice %arg3[%dma_start3A_20, %dma_start3A_21] : memref<100000x128xf32, #tpu.memory_space<hbm>> -> memref<100000x128xf32, #tpu.memory_space<hbm>>
    tpu.enqueue_indirect_dma source(%dma_start3A_22 : memref<100000x128xf32, #tpu.memory_space<hbm>>) target(%arg8 : memref<64x128xf32, #tpu.memory_space<vmem>>) offsets(%dma_start3A_19 : memref<64xi32, #tpu.memory_space<vmem>>) semaphore(%arg18 : memref<!tpu.dma_semaphore, #tpu.memory_space<semaphore_mem>>)
    %dma_start3A_23 = arith.constant 1 : i32
    %dma_start3A_24 = arith.constant 64 : i32
    %dma_start3A_25 = tpu.memref_slice %arg5[%dma_start3A_23, %dma_start3A_24] : memref<50x128xi32, #tpu.memory_space<vmem>> -> memref<1x64xi32, #tpu.memory_space<vmem>>
    %dma_start3A_26 = tpu.memref_squeeze %dma_start3A_25 : memref<1x64xi32, #tpu.memory_space<vmem>> -> memref<64xi32, #tpu.memory_space<vmem>>
    %dma_start3A_27 = arith.constant 0 : i32
    %dma_start3A_28 = arith.constant 0 : i32
    %dma_start3A_29 = tpu.memref_slice %arg3[%dma_start3A_27, %dma_start3A_28] : memref<100000x128xf32, #tpu.memory_space<hbm>> -> memref<100000x128xf32, #tpu.memory_space<hbm>>
    tpu.enqueue_indirect_dma source(%dma_start3A_29 : memref<100000x128xf32, #tpu.memory_space<hbm>>) target(%arg9 : memref<64x128xf32, #tpu.memory_space<vmem>>) offsets(%dma_start3A_26 : memref<64xi32, #tpu.memory_space<vmem>>) semaphore(%arg19 : memref<!tpu.dma_semaphore, #tpu.memory_space<semaphore_mem>>)
    %dma_start3A_30 = arith.constant 2 : i32
    %dma_start3A_31 = arith.constant 0 : i32
    %dma_start3A_32 = tpu.memref_slice %arg5[%dma_start3A_30, %dma_start3A_31] : memref<50x128xi32, #tpu.memory_space<vmem>> -> memref<1x64xi32, #tpu.memory_space<vmem>>
    %dma_start3A_33 = tpu.memref_squeeze %dma_start3A_32 : memref<1x64xi32, #tpu.memory_space<vmem>> -> memref<64xi32, #tpu.memory_space<vmem>>
    %dma_start3A_34 = arith.constant 0 : i32
    %dma_start3A_35 = arith.constant 0 : i32
    %dma_start3A_36 = tpu.memref_slice %arg3[%dma_start3A_34, %dma_start3A_35] : memref<100000x128xf32, #tpu.memory_space<hbm>> -> memref<100000x128xf32, #tpu.memory_space<hbm>>
    tpu.enqueue_indirect_dma source(%dma_start3A_36 : memref<100000x128xf32, #tpu.memory_space<hbm>>) target(%arg10 : memref<64x128xf32, #tpu.memory_space<vmem>>) offsets(%dma_start3A_33 : memref<64xi32, #tpu.memory_space<vmem>>) semaphore(%arg20 : memref<!tpu.dma_semaphore, #tpu.memory_space<semaphore_mem>>)
    %dma_start3A_37 = arith.constant 2 : i32
    %dma_start3A_38 = arith.constant 64 : i32
    %dma_start3A_39 = tpu.memref_slice %arg5[%dma_start3A_37, %dma_start3A_38] : memref<50x128xi32, #tpu.memory_space<vmem>> -> memref<1x64xi32, #tpu.memory_space<vmem>>
    %dma_start3A_40 = tpu.memref_squeeze %dma_start3A_39 : memref<1x64xi32, #tpu.memory_space<vmem>> -> memref<64xi32, #tpu.memory_space<vmem>>
    %dma_start3A_41 = arith.constant 0 : i32
    %dma_start3A_42 = arith.constant 0 : i32
    %dma_start3A_43 = tpu.memref_slice %arg3[%dma_start3A_41, %dma_start3A_42] : memref<100000x128xf32, #tpu.memory_space<hbm>> -> memref<100000x128xf32, #tpu.memory_space<hbm>>
    tpu.enqueue_indirect_dma source(%dma_start3A_43 : memref<100000x128xf32, #tpu.memory_space<hbm>>) target(%arg11 : memref<64x128xf32, #tpu.memory_space<vmem>>) offsets(%dma_start3A_40 : memref<64xi32, #tpu.memory_space<vmem>>) semaphore(%arg21 : memref<!tpu.dma_semaphore, #tpu.memory_space<semaphore_mem>>)
    %dma_start3A_44 = arith.constant 3 : i32
    %dma_start3A_45 = arith.constant 0 : i32
    %dma_start3A_46 = tpu.memref_slice %arg5[%dma_start3A_44, %dma_start3A_45] : memref<50x128xi32, #tpu.memory_space<vmem>> -> memref<1x64xi32, #tpu.memory_space<vmem>>
    %dma_start3A_47 = tpu.memref_squeeze %dma_start3A_46 : memref<1x64xi32, #tpu.memory_space<vmem>> -> memref<64xi32, #tpu.memory_space<vmem>>
    %dma_start3A_48 = arith.constant 0 : i32
    %dma_start3A_49 = arith.constant 0 : i32
    %dma_start3A_50 = tpu.memref_slice %arg3[%dma_start3A_48, %dma_start3A_49] : memref<100000x128xf32, #tpu.memory_space<hbm>> -> memref<100000x128xf32, #tpu.memory_space<hbm>>
    tpu.enqueue_indirect_dma source(%dma_start3A_50 : memref<100000x128xf32, #tpu.memory_space<hbm>>) target(%arg12 : memref<64x128xf32, #tpu.memory_space<vmem>>) offsets(%dma_start3A_47 : memref<64xi32, #tpu.memory_space<vmem>>) semaphore(%arg22 : memref<!tpu.dma_semaphore, #tpu.memory_space<semaphore_mem>>)
    %dma_start3A_51 = arith.constant 3 : i32
    %dma_start3A_52 = arith.constant 64 : i32
    %dma_start3A_53 = tpu.memref_slice %arg5[%dma_start3A_51, %dma_start3A_52] : memref<50x128xi32, #tpu.memory_space<vmem>> -> memref<1x64xi32, #tpu.memory_space<vmem>>
    %dma_start3A_54 = tpu.memref_squeeze %dma_start3A_53 : memref<1x64xi32, #tpu.memory_space<vmem>> -> memref<64xi32, #tpu.memory_space<vmem>>
    %dma_start3A_55 = arith.constant 0 : i32
    %dma_start3A_56 = arith.constant 0 : i32
    %dma_start3A_57 = tpu.memref_slice %arg3[%dma_start3A_55, %dma_start3A_56] : memref<100000x128xf32, #tpu.memory_space<hbm>> -> memref<100000x128xf32, #tpu.memory_space<hbm>>
    tpu.enqueue_indirect_dma source(%dma_start3A_57 : memref<100000x128xf32, #tpu.memory_space<hbm>>) target(%arg13 : memref<64x128xf32, #tpu.memory_space<vmem>>) offsets(%dma_start3A_54 : memref<64xi32, #tpu.memory_space<vmem>>) semaphore(%arg23 : memref<!tpu.dma_semaphore, #tpu.memory_space<semaphore_mem>>)
    %dma_start3A_58 = arith.constant 4 : i32
    %dma_start3A_59 = arith.constant 0 : i32
    %dma_start3A_60 = tpu.memref_slice %arg5[%dma_start3A_58, %dma_start3A_59] : memref<50x128xi32, #tpu.memory_space<vmem>> -> memref<1x64xi32, #tpu.memory_space<vmem>>
    %dma_start3A_61 = tpu.memref_squeeze %dma_start3A_60 : memref<1x64xi32, #tpu.memory_space<vmem>> -> memref<64xi32, #tpu.memory_space<vmem>>
    %dma_start3A_62 = arith.constant 0 : i32
    %dma_start3A_63 = arith.constant 0 : i32
    %dma_start3A_64 = tpu.memref_slice %arg3[%dma_start3A_62, %dma_start3A_63] : memref<100000x128xf32, #tpu.memory_space<hbm>> -> memref<100000x128xf32, #tpu.memory_space<hbm>>
    tpu.enqueue_indirect_dma source(%dma_start3A_64 : memref<100000x128xf32, #tpu.memory_space<hbm>>) target(%arg14 : memref<64x128xf32, #tpu.memory_space<vmem>>) offsets(%dma_start3A_61 : memref<64xi32, #tpu.memory_space<vmem>>) semaphore(%arg24 : memref<!tpu.dma_semaphore, #tpu.memory_space<semaphore_mem>>)
    %dma_start3A_65 = arith.constant 4 : i32
    %dma_start3A_66 = arith.constant 64 : i32
    %dma_start3A_67 = tpu.memref_slice %arg5[%dma_start3A_65, %dma_start3A_66] : memref<50x128xi32, #tpu.memory_space<vmem>> -> memref<1x64xi32, #tpu.memory_space<vmem>>
    %dma_start3A_68 = tpu.memref_squeeze %dma_start3A_67 : memref<1x64xi32, #tpu.memory_space<vmem>> -> memref<64xi32, #tpu.memory_space<vmem>>
    %dma_start3A_69 = arith.constant 0 : i32
    %dma_start3A_70 = arith.constant 0 : i32
    %dma_start3A_71 = tpu.memref_slice %arg3[%dma_start3A_69, %dma_start3A_70] : memref<100000x128xf32, #tpu.memory_space<hbm>> -> memref<100000x128xf32, #tpu.memory_space<hbm>>
    tpu.enqueue_indirect_dma source(%dma_start3A_71 : memref<100000x128xf32, #tpu.memory_space<hbm>>) target(%arg15 : memref<64x128xf32, #tpu.memory_space<vmem>>) offsets(%dma_start3A_68 : memref<64xi32, #tpu.memory_space<vmem>>) semaphore(%arg25 : memref<!tpu.dma_semaphore, #tpu.memory_space<semaphore_mem>>)
    %dma_wait3A = arith.constant 0 : i32
    %dma_wait3A_72 = arith.constant 0 : i32
    %dma_wait3A_73 = tpu.memref_slice %arg5[%dma_wait3A, %dma_wait3A_72] : memref<50x128xi32, #tpu.memory_space<vmem>> -> memref<1x64xi32, #tpu.memory_space<vmem>>
    %dma_wait3A_74 = tpu.memref_squeeze %dma_wait3A_73 : memref<1x64xi32, #tpu.memory_space<vmem>> -> memref<64xi32, #tpu.memory_space<vmem>>
    %dma_wait3A_75 = arith.constant 0 : i32
    %dma_wait3A_76 = arith.constant 0 : i32
    %dma_wait3A_77 = tpu.memref_slice %arg3[%dma_wait3A_75, %dma_wait3A_76] : memref<100000x128xf32, #tpu.memory_space<hbm>> -> memref<100000x128xf32, #tpu.memory_space<hbm>>
    tpu.wait_indirect_dma semaphore(%arg16 : memref<!tpu.dma_semaphore, #tpu.memory_space<semaphore_mem>>) src(%dma_wait3A_77 : memref<100000x128xf32, #tpu.memory_space<hbm>>) dst(%arg6 : memref<64x128xf32, #tpu.memory_space<vmem>>)
    %add3A_78 = arith.constant 0 : i32
    %add3A_79 = arith.addi %mul3A_2, %add3A_78 : i32
    %dma_start3A_80 = arith.constant 0 : i32
    %dma_start3A_81 = arith.constant 0 : i32
    %dma_start3A_82 = tpu.memref_slice %arg4[%dma_start3A_80, %add3A_79, %dma_start3A_81] : memref<50x4096x128xf32, #tpu.memory_space<hbm>> -> memref<1x64x128xf32, #tpu.memory_space<hbm>>
    %dma_start3A_83 = tpu.memref_squeeze %dma_start3A_82 : memref<1x64x128xf32, #tpu.memory_space<hbm>> -> memref<64x128xf32, #tpu.memory_space<hbm>>
    %dma_start3A_84 = arith.constant 0 : i32
    %dma_start3A_85 = tpu.memref_slice %arg4[%dma_start3A_80, %add3A_79, %dma_start3A_84] : memref<50x4096x128xf32, #tpu.memory_space<hbm>> -> memref<1x64x128xf32, #tpu.memory_space<hbm>>
    %dma_start3A_86 = tpu.memref_squeeze %dma_start3A_85 : memref<1x64x128xf32, #tpu.memory_space<hbm>> -> memref<64x128xf32, #tpu.memory_space<hbm>>
    tpu.enqueue_dma source(%arg6 : memref<64x128xf32, #tpu.memory_space<vmem>>) target(%dma_start3A_86 : memref<64x128xf32, #tpu.memory_space<hbm>>) target_semaphore(%arg26 : memref<!tpu.dma_semaphore, #tpu.memory_space<semaphore_mem>>)
    %dma_wait3A_87 = arith.constant 0 : i32
    %dma_wait3A_88 = arith.constant 64 : i32
    %dma_wait3A_89 = tpu.memref_slice %arg5[%dma_wait3A_87, %dma_wait3A_88] : memref<50x128xi32, #tpu.memory_space<vmem>> -> memref<1x64xi32, #tpu.memory_space<vmem>>
    %dma_wait3A_90 = tpu.memref_squeeze %dma_wait3A_89 : memref<1x64xi32, #tpu.memory_space<vmem>> -> memref<64xi32, #tpu.memory_space<vmem>>
    %dma_wait3A_91 = arith.constant 0 : i32
    %dma_wait3A_92 = arith.constant 0 : i32
    %dma_wait3A_93 = tpu.memref_slice %arg3[%dma_wait3A_91, %dma_wait3A_92] : memref<100000x128xf32, #tpu.memory_space<hbm>> -> memref<100000x128xf32, #tpu.memory_space<hbm>>
    tpu.wait_indirect_dma semaphore(%arg17 : memref<!tpu.dma_semaphore, #tpu.memory_space<semaphore_mem>>) src(%dma_wait3A_93 : memref<100000x128xf32, #tpu.memory_space<hbm>>) dst(%arg7 : memref<64x128xf32, #tpu.memory_space<vmem>>)
    %add3A_94 = arith.constant 64 : i32
    %add3A_95 = arith.addi %mul3A_2, %add3A_94 : i32
    %dma_start3A_96 = arith.constant 0 : i32
    %dma_start3A_97 = arith.constant 0 : i32
    %dma_start3A_98 = tpu.memref_slice %arg4[%dma_start3A_96, %add3A_95, %dma_start3A_97] : memref<50x4096x128xf32, #tpu.memory_space<hbm>> -> memref<1x64x128xf32, #tpu.memory_space<hbm>>
    %dma_start3A_99 = tpu.memref_squeeze %dma_start3A_98 : memref<1x64x128xf32, #tpu.memory_space<hbm>> -> memref<64x128xf32, #tpu.memory_space<hbm>>
    %dma_start3A_100 = arith.constant 0 : i32
    %dma_start3A_101 = tpu.memref_slice %arg4[%dma_start3A_96, %add3A_95, %dma_start3A_100] : memref<50x4096x128xf32, #tpu.memory_space<hbm>> -> memref<1x64x128xf32, #tpu.memory_space<hbm>>
    %dma_start3A_102 = tpu.memref_squeeze %dma_start3A_101 : memref<1x64x128xf32, #tpu.memory_space<hbm>> -> memref<64x128xf32, #tpu.memory_space<hbm>>
    tpu.enqueue_dma source(%arg7 : memref<64x128xf32, #tpu.memory_space<vmem>>) target(%dma_start3A_102 : memref<64x128xf32, #tpu.memory_space<hbm>>) target_semaphore(%arg27 : memref<!tpu.dma_semaphore, #tpu.memory_space<semaphore_mem>>)
    %dma_wait3A_103 = arith.constant 1 : i32
    %dma_wait3A_104 = arith.constant 0 : i32
    %dma_wait3A_105 = tpu.memref_slice %arg5[%dma_wait3A_103, %dma_wait3A_104] : memref<50x128xi32, #tpu.memory_space<vmem>> -> memref<1x64xi32, #tpu.memory_space<vmem>>
    %dma_wait3A_106 = tpu.memref_squeeze %dma_wait3A_105 : memref<1x64xi32, #tpu.memory_space<vmem>> -> memref<64xi32, #tpu.memory_space<vmem>>
    %dma_wait3A_107 = arith.constant 0 : i32
    %dma_wait3A_108 = arith.constant 0 : i32
    %dma_wait3A_109 = tpu.memref_slice %arg3[%dma_wait3A_107, %dma_wait3A_108] : memref<100000x128xf32, #tpu.memory_space<hbm>> -> memref<100000x128xf32, #tpu.memory_space<hbm>>
    tpu.wait_indirect_dma semaphore(%arg18 : memref<!tpu.dma_semaphore, #tpu.memory_space<semaphore_mem>>) src(%dma_wait3A_109 : memref<100000x128xf32, #tpu.memory_space<hbm>>) dst(%arg8 : memref<64x128xf32, #tpu.memory_space<vmem>>)
    %add3A_110 = arith.constant 0 : i32
    %add3A_111 = arith.addi %mul3A_2, %add3A_110 : i32
    %dma_start3A_112 = arith.constant 1 : i32
    %dma_start3A_113 = arith.constant 0 : i32
    %dma_start3A_114 = tpu.memref_slice %arg4[%dma_start3A_112, %add3A_111, %dma_start3A_113] : memref<50x4096x128xf32, #tpu.memory_space<hbm>> -> memref<1x64x128xf32, #tpu.memory_space<hbm>>
    %dma_start3A_115 = tpu.memref_squeeze %dma_start3A_114 : memref<1x64x128xf32, #tpu.memory_space<hbm>> -> memref<64x128xf32, #tpu.memory_space<hbm>>
    %dma_start3A_116 = arith.constant 0 : i32
    %dma_start3A_117 = tpu.memref_slice %arg4[%dma_start3A_112, %add3A_111, %dma_start3A_116] : memref<50x4096x128xf32, #tpu.memory_space<hbm>> -> memref<1x64x128xf32, #tpu.memory_space<hbm>>
    %dma_start3A_118 = tpu.memref_squeeze %dma_start3A_117 : memref<1x64x128xf32, #tpu.memory_space<hbm>> -> memref<64x128xf32, #tpu.memory_space<hbm>>
    tpu.enqueue_dma source(%arg8 : memref<64x128xf32, #tpu.memory_space<vmem>>) target(%dma_start3A_118 : memref<64x128xf32, #tpu.memory_space<hbm>>) target_semaphore(%arg28 : memref<!tpu.dma_semaphore, #tpu.memory_space<semaphore_mem>>)
    %dma_wait3A_119 = arith.constant 1 : i32
    %dma_wait3A_120 = arith.constant 64 : i32
    %dma_wait3A_121 = tpu.memref_slice %arg5[%dma_wait3A_119, %dma_wait3A_120] : memref<50x128xi32, #tpu.memory_space<vmem>> -> memref<1x64xi32, #tpu.memory_space<vmem>>
    %dma_wait3A_122 = tpu.memref_squeeze %dma_wait3A_121 : memref<1x64xi32, #tpu.memory_space<vmem>> -> memref<64xi32, #tpu.memory_space<vmem>>
    %dma_wait3A_123 = arith.constant 0 : i32
    %dma_wait3A_124 = arith.constant 0 : i32
    %dma_wait3A_125 = tpu.memref_slice %arg3[%dma_wait3A_123, %dma_wait3A_124] : memref<100000x128xf32, #tpu.memory_space<hbm>> -> memref<100000x128xf32, #tpu.memory_space<hbm>>
    tpu.wait_indirect_dma semaphore(%arg19 : memref<!tpu.dma_semaphore, #tpu.memory_space<semaphore_mem>>) src(%dma_wait3A_125 : memref<100000x128xf32, #tpu.memory_space<hbm>>) dst(%arg9 : memref<64x128xf32, #tpu.memory_space<vmem>>)
    %add3A_126 = arith.constant 64 : i32
    %add3A_127 = arith.addi %mul3A_2, %add3A_126 : i32
    %dma_start3A_128 = arith.constant 1 : i32
    %dma_start3A_129 = arith.constant 0 : i32
    %dma_start3A_130 = tpu.memref_slice %arg4[%dma_start3A_128, %add3A_127, %dma_start3A_129] : memref<50x4096x128xf32, #tpu.memory_space<hbm>> -> memref<1x64x128xf32, #tpu.memory_space<hbm>>
    %dma_start3A_131 = tpu.memref_squeeze %dma_start3A_130 : memref<1x64x128xf32, #tpu.memory_space<hbm>> -> memref<64x128xf32, #tpu.memory_space<hbm>>
    %dma_start3A_132 = arith.constant 0 : i32
    %dma_start3A_133 = tpu.memref_slice %arg4[%dma_start3A_128, %add3A_127, %dma_start3A_132] : memref<50x4096x128xf32, #tpu.memory_space<hbm>> -> memref<1x64x128xf32, #tpu.memory_space<hbm>>
    %dma_start3A_134 = tpu.memref_squeeze %dma_start3A_133 : memref<1x64x128xf32, #tpu.memory_space<hbm>> -> memref<64x128xf32, #tpu.memory_space<hbm>>
    tpu.enqueue_dma source(%arg9 : memref<64x128xf32, #tpu.memory_space<vmem>>) target(%dma_start3A_134 : memref<64x128xf32, #tpu.memory_space<hbm>>) target_semaphore(%arg29 : memref<!tpu.dma_semaphore, #tpu.memory_space<semaphore_mem>>)
    %dma_wait3A_135 = arith.constant 2 : i32
    %dma_wait3A_136 = arith.constant 0 : i32
    %dma_wait3A_137 = tpu.memref_slice %arg5[%dma_wait3A_135, %dma_wait3A_136] : memref<50x128xi32, #tpu.memory_space<vmem>> -> memref<1x64xi32, #tpu.memory_space<vmem>>
    %dma_wait3A_138 = tpu.memref_squeeze %dma_wait3A_137 : memref<1x64xi32, #tpu.memory_space<vmem>> -> memref<64xi32, #tpu.memory_space<vmem>>
    %dma_wait3A_139 = arith.constant 0 : i32
    %dma_wait3A_140 = arith.constant 0 : i32
    %dma_wait3A_141 = tpu.memref_slice %arg3[%dma_wait3A_139, %dma_wait3A_140] : memref<100000x128xf32, #tpu.memory_space<hbm>> -> memref<100000x128xf32, #tpu.memory_space<hbm>>
    tpu.wait_indirect_dma semaphore(%arg20 : memref<!tpu.dma_semaphore, #tpu.memory_space<semaphore_mem>>) src(%dma_wait3A_141 : memref<100000x128xf32, #tpu.memory_space<hbm>>) dst(%arg10 : memref<64x128xf32, #tpu.memory_space<vmem>>)
    %add3A_142 = arith.constant 0 : i32
    %add3A_143 = arith.addi %mul3A_2, %add3A_142 : i32
    %dma_start3A_144 = arith.constant 2 : i32
    %dma_start3A_145 = arith.constant 0 : i32
    %dma_start3A_146 = tpu.memref_slice %arg4[%dma_start3A_144, %add3A_143, %dma_start3A_145] : memref<50x4096x128xf32, #tpu.memory_space<hbm>> -> memref<1x64x128xf32, #tpu.memory_space<hbm>>
    %dma_start3A_147 = tpu.memref_squeeze %dma_start3A_146 : memref<1x64x128xf32, #tpu.memory_space<hbm>> -> memref<64x128xf32, #tpu.memory_space<hbm>>
    %dma_start3A_148 = arith.constant 0 : i32
    %dma_start3A_149 = tpu.memref_slice %arg4[%dma_start3A_144, %add3A_143, %dma_start3A_148] : memref<50x4096x128xf32, #tpu.memory_space<hbm>> -> memref<1x64x128xf32, #tpu.memory_space<hbm>>
    %dma_start3A_150 = tpu.memref_squeeze %dma_start3A_149 : memref<1x64x128xf32, #tpu.memory_space<hbm>> -> memref<64x128xf32, #tpu.memory_space<hbm>>
    tpu.enqueue_dma source(%arg10 : memref<64x128xf32, #tpu.memory_space<vmem>>) target(%dma_start3A_150 : memref<64x128xf32, #tpu.memory_space<hbm>>) target_semaphore(%arg30 : memref<!tpu.dma_semaphore, #tpu.memory_space<semaphore_mem>>)
    %dma_wait3A_151 = arith.constant 2 : i32
    %dma_wait3A_152 = arith.constant 64 : i32
    %dma_wait3A_153 = tpu.memref_slice %arg5[%dma_wait3A_151, %dma_wait3A_152] : memref<50x128xi32, #tpu.memory_space<vmem>> -> memref<1x64xi32, #tpu.memory_space<vmem>>
    %dma_wait3A_154 = tpu.memref_squeeze %dma_wait3A_153 : memref<1x64xi32, #tpu.memory_space<vmem>> -> memref<64xi32, #tpu.memory_space<vmem>>
    %dma_wait3A_155 = arith.constant 0 : i32
    %dma_wait3A_156 = arith.constant 0 : i32
    %dma_wait3A_157 = tpu.memref_slice %arg3[%dma_wait3A_155, %dma_wait3A_156] : memref<100000x128xf32, #tpu.memory_space<hbm>> -> memref<100000x128xf32, #tpu.memory_space<hbm>>
    tpu.wait_indirect_dma semaphore(%arg21 : memref<!tpu.dma_semaphore, #tpu.memory_space<semaphore_mem>>) src(%dma_wait3A_157 : memref<100000x128xf32, #tpu.memory_space<hbm>>) dst(%arg11 : memref<64x128xf32, #tpu.memory_space<vmem>>)
    %add3A_158 = arith.constant 64 : i32
    %add3A_159 = arith.addi %mul3A_2, %add3A_158 : i32
    %dma_start3A_160 = arith.constant 2 : i32
    %dma_start3A_161 = arith.constant 0 : i32
    %dma_start3A_162 = tpu.memref_slice %arg4[%dma_start3A_160, %add3A_159, %dma_start3A_161] : memref<50x4096x128xf32, #tpu.memory_space<hbm>> -> memref<1x64x128xf32, #tpu.memory_space<hbm>>
    %dma_start3A_163 = tpu.memref_squeeze %dma_start3A_162 : memref<1x64x128xf32, #tpu.memory_space<hbm>> -> memref<64x128xf32, #tpu.memory_space<hbm>>
    %dma_start3A_164 = arith.constant 0 : i32
    %dma_start3A_165 = tpu.memref_slice %arg4[%dma_start3A_160, %add3A_159, %dma_start3A_164] : memref<50x4096x128xf32, #tpu.memory_space<hbm>> -> memref<1x64x128xf32, #tpu.memory_space<hbm>>
    %dma_start3A_166 = tpu.memref_squeeze %dma_start3A_165 : memref<1x64x128xf32, #tpu.memory_space<hbm>> -> memref<64x128xf32, #tpu.memory_space<hbm>>
    tpu.enqueue_dma source(%arg11 : memref<64x128xf32, #tpu.memory_space<vmem>>) target(%dma_start3A_166 : memref<64x128xf32, #tpu.memory_space<hbm>>) target_semaphore(%arg31 : memref<!tpu.dma_semaphore, #tpu.memory_space<semaphore_mem>>)
    %dma_wait3A_167 = arith.constant 3 : i32
    %dma_wait3A_168 = arith.constant 0 : i32
    %dma_wait3A_169 = tpu.memref_slice %arg5[%dma_wait3A_167, %dma_wait3A_168] : memref<50x128xi32, #tpu.memory_space<vmem>> -> memref<1x64xi32, #tpu.memory_space<vmem>>
    %dma_wait3A_170 = tpu.memref_squeeze %dma_wait3A_169 : memref<1x64xi32, #tpu.memory_space<vmem>> -> memref<64xi32, #tpu.memory_space<vmem>>
    %dma_wait3A_171 = arith.constant 0 : i32
    %dma_wait3A_172 = arith.constant 0 : i32
    %dma_wait3A_173 = tpu.memref_slice %arg3[%dma_wait3A_171, %dma_wait3A_172] : memref<100000x128xf32, #tpu.memory_space<hbm>> -> memref<100000x128xf32, #tpu.memory_space<hbm>>
    tpu.wait_indirect_dma semaphore(%arg22 : memref<!tpu.dma_semaphore, #tpu.memory_space<semaphore_mem>>) src(%dma_wait3A_173 : memref<100000x128xf32, #tpu.memory_space<hbm>>) dst(%arg12 : memref<64x128xf32, #tpu.memory_space<vmem>>)
    %add3A_174 = arith.constant 0 : i32
    %add3A_175 = arith.addi %mul3A_2, %add3A_174 : i32
    %dma_start3A_176 = arith.constant 3 : i32
    %dma_start3A_177 = arith.constant 0 : i32
    %dma_start3A_178 = tpu.memref_slice %arg4[%dma_start3A_176, %add3A_175, %dma_start3A_177] : memref<50x4096x128xf32, #tpu.memory_space<hbm>> -> memref<1x64x128xf32, #tpu.memory_space<hbm>>
    %dma_start3A_179 = tpu.memref_squeeze %dma_start3A_178 : memref<1x64x128xf32, #tpu.memory_space<hbm>> -> memref<64x128xf32, #tpu.memory_space<hbm>>
    %dma_start3A_180 = arith.constant 0 : i32
    %dma_start3A_181 = tpu.memref_slice %arg4[%dma_start3A_176, %add3A_175, %dma_start3A_180] : memref<50x4096x128xf32, #tpu.memory_space<hbm>> -> memref<1x64x128xf32, #tpu.memory_space<hbm>>
    %dma_start3A_182 = tpu.memref_squeeze %dma_start3A_181 : memref<1x64x128xf32, #tpu.memory_space<hbm>> -> memref<64x128xf32, #tpu.memory_space<hbm>>
    tpu.enqueue_dma source(%arg12 : memref<64x128xf32, #tpu.memory_space<vmem>>) target(%dma_start3A_182 : memref<64x128xf32, #tpu.memory_space<hbm>>) target_semaphore(%arg32 : memref<!tpu.dma_semaphore, #tpu.memory_space<semaphore_mem>>)
    %dma_wait3A_183 = arith.constant 3 : i32
    %dma_wait3A_184 = arith.constant 64 : i32
    %dma_wait3A_185 = tpu.memref_slice %arg5[%dma_wait3A_183, %dma_wait3A_184] : memref<50x128xi32, #tpu.memory_space<vmem>> -> memref<1x64xi32, #tpu.memory_space<vmem>>
    %dma_wait3A_186 = tpu.memref_squeeze %dma_wait3A_185 : memref<1x64xi32, #tpu.memory_space<vmem>> -> memref<64xi32, #tpu.memory_space<vmem>>
    %dma_wait3A_187 = arith.constant 0 : i32
    %dma_wait3A_188 = arith.constant 0 : i32
    %dma_wait3A_189 = tpu.memref_slice %arg3[%dma_wait3A_187, %dma_wait3A_188] : memref<100000x128xf32, #tpu.memory_space<hbm>> -> memref<100000x128xf32, #tpu.memory_space<hbm>>
    tpu.wait_indirect_dma semaphore(%arg23 : memref<!tpu.dma_semaphore, #tpu.memory_space<semaphore_mem>>) src(%dma_wait3A_189 : memref<100000x128xf32, #tpu.memory_space<hbm>>) dst(%arg13 : memref<64x128xf32, #tpu.memory_space<vmem>>)
    %add3A_190 = arith.constant 64 : i32
    %add3A_191 = arith.addi %mul3A_2, %add3A_190 : i32
    %dma_start3A_192 = arith.constant 3 : i32
    %dma_start3A_193 = arith.constant 0 : i32
    %dma_start3A_194 = tpu.memref_slice %arg4[%dma_start3A_192, %add3A_191, %dma_start3A_193] : memref<50x4096x128xf32, #tpu.memory_space<hbm>> -> memref<1x64x128xf32, #tpu.memory_space<hbm>>
    %dma_start3A_195 = tpu.memref_squeeze %dma_start3A_194 : memref<1x64x128xf32, #tpu.memory_space<hbm>> -> memref<64x128xf32, #tpu.memory_space<hbm>>
    %dma_start3A_196 = arith.constant 0 : i32
    %dma_start3A_197 = tpu.memref_slice %arg4[%dma_start3A_192, %add3A_191, %dma_start3A_196] : memref<50x4096x128xf32, #tpu.memory_space<hbm>> -> memref<1x64x128xf32, #tpu.memory_space<hbm>>
    %dma_start3A_198 = tpu.memref_squeeze %dma_start3A_197 : memref<1x64x128xf32, #tpu.memory_space<hbm>> -> memref<64x128xf32, #tpu.memory_space<hbm>>
    tpu.enqueue_dma source(%arg13 : memref<64x128xf32, #tpu.memory_space<vmem>>) target(%dma_start3A_198 : memref<64x128xf32, #tpu.memory_space<hbm>>) target_semaphore(%arg33 : memref<!tpu.dma_semaphore, #tpu.memory_space<semaphore_mem>>)
    %dma_wait3A_199 = arith.constant 4 : i32
    %dma_wait3A_200 = arith.constant 0 : i32
    %dma_wait3A_201 = tpu.memref_slice %arg5[%dma_wait3A_199, %dma_wait3A_200] : memref<50x128xi32, #tpu.memory_space<vmem>> -> memref<1x64xi32, #tpu.memory_space<vmem>>
    %dma_wait3A_202 = tpu.memref_squeeze %dma_wait3A_201 : memref<1x64xi32, #tpu.memory_space<vmem>> -> memref<64xi32, #tpu.memory_space<vmem>>
    %dma_wait3A_203 = arith.constant 0 : i32
    %dma_wait3A_204 = arith.constant 0 : i32
    %dma_wait3A_205 = tpu.memref_slice %arg3[%dma_wait3A_203, %dma_wait3A_204] : memref<100000x128xf32, #tpu.memory_space<hbm>> -> memref<100000x128xf32, #tpu.memory_space<hbm>>
    tpu.wait_indirect_dma semaphore(%arg24 : memref<!tpu.dma_semaphore, #tpu.memory_space<semaphore_mem>>) src(%dma_wait3A_205 : memref<100000x128xf32, #tpu.memory_space<hbm>>) dst(%arg14 : memref<64x128xf32, #tpu.memory_space<vmem>>)
    %add3A_206 = arith.constant 0 : i32
    %add3A_207 = arith.addi %mul3A_2, %add3A_206 : i32
    %dma_start3A_208 = arith.constant 4 : i32
    %dma_start3A_209 = arith.constant 0 : i32
    %dma_start3A_210 = tpu.memref_slice %arg4[%dma_start3A_208, %add3A_207, %dma_start3A_209] : memref<50x4096x128xf32, #tpu.memory_space<hbm>> -> memref<1x64x128xf32, #tpu.memory_space<hbm>>
    %dma_start3A_211 = tpu.memref_squeeze %dma_start3A_210 : memref<1x64x128xf32, #tpu.memory_space<hbm>> -> memref<64x128xf32, #tpu.memory_space<hbm>>
    %dma_start3A_212 = arith.constant 0 : i32
    %dma_start3A_213 = tpu.memref_slice %arg4[%dma_start3A_208, %add3A_207, %dma_start3A_212] : memref<50x4096x128xf32, #tpu.memory_space<hbm>> -> memref<1x64x128xf32, #tpu.memory_space<hbm>>
    %dma_start3A_214 = tpu.memref_squeeze %dma_start3A_213 : memref<1x64x128xf32, #tpu.memory_space<hbm>> -> memref<64x128xf32, #tpu.memory_space<hbm>>
    tpu.enqueue_dma source(%arg14 : memref<64x128xf32, #tpu.memory_space<vmem>>) target(%dma_start3A_214 : memref<64x128xf32, #tpu.memory_space<hbm>>) target_semaphore(%arg34 : memref<!tpu.dma_semaphore, #tpu.memory_space<semaphore_mem>>)
    %dma_wait3A_215 = arith.constant 4 : i32
    %dma_wait3A_216 = arith.constant 64 : i32
    %dma_wait3A_217 = tpu.memref_slice %arg5[%dma_wait3A_215, %dma_wait3A_216] : memref<50x128xi32, #tpu.memory_space<vmem>> -> memref<1x64xi32, #tpu.memory_space<vmem>>
    %dma_wait3A_218 = tpu.memref_squeeze %dma_wait3A_217 : memref<1x64xi32, #tpu.memory_space<vmem>> -> memref<64xi32, #tpu.memory_space<vmem>>
    %dma_wait3A_219 = arith.constant 0 : i32
    %dma_wait3A_220 = arith.constant 0 : i32
    %dma_wait3A_221 = tpu.memref_slice %arg3[%dma_wait3A_219, %dma_wait3A_220] : memref<100000x128xf32, #tpu.memory_space<hbm>> -> memref<100000x128xf32, #tpu.memory_space<hbm>>
    tpu.wait_indirect_dma semaphore(%arg25 : memref<!tpu.dma_semaphore, #tpu.memory_space<semaphore_mem>>) src(%dma_wait3A_221 : memref<100000x128xf32, #tpu.memory_space<hbm>>) dst(%arg15 : memref<64x128xf32, #tpu.memory_space<vmem>>)
    %add3A_222 = arith.constant 64 : i32
    %add3A_223 = arith.addi %mul3A_2, %add3A_222 : i32
    %dma_start3A_224 = arith.constant 4 : i32
    %dma_start3A_225 = arith.constant 0 : i32
    %dma_start3A_226 = tpu.memref_slice %arg4[%dma_start3A_224, %add3A_223, %dma_start3A_225] : memref<50x4096x128xf32, #tpu.memory_space<hbm>> -> memref<1x64x128xf32, #tpu.memory_space<hbm>>
    %dma_start3A_227 = tpu.memref_squeeze %dma_start3A_226 : memref<1x64x128xf32, #tpu.memory_space<hbm>> -> memref<64x128xf32, #tpu.memory_space<hbm>>
    %dma_start3A_228 = arith.constant 0 : i32
    %dma_start3A_229 = tpu.memref_slice %arg4[%dma_start3A_224, %add3A_223, %dma_start3A_228] : memref<50x4096x128xf32, #tpu.memory_space<hbm>> -> memref<1x64x128xf32, #tpu.memory_space<hbm>>
    %dma_start3A_230 = tpu.memref_squeeze %dma_start3A_229 : memref<1x64x128xf32, #tpu.memory_space<hbm>> -> memref<64x128xf32, #tpu.memory_space<hbm>>
    tpu.enqueue_dma source(%arg15 : memref<64x128xf32, #tpu.memory_space<vmem>>) target(%dma_start3A_230 : memref<64x128xf32, #tpu.memory_space<hbm>>) target_semaphore(%arg35 : memref<!tpu.dma_semaphore, #tpu.memory_space<semaphore_mem>>)
    %scan3A = arith.constant 0 : i32
    %scan3A_231 = arith.constant 1 : i32
    %scan3A_232 = arith.constant 9 : i32
    %scan3A_233 = arith.addi %scan3A_231, %scan3A_232 : i32
    %scan3A_234 = arith.constant 1 : i32
    scf.for %scan3A_306 = %scan3A_231 to %scan3A_233 step %scan3A_234  : i32 {
      %dma_wait3A_307 = arith.constant 0 : i32
      %dma_wait3A_308 = arith.constant 0 : i32
      %dma_wait3A_309 = tpu.memref_slice %arg4[%dma_wait3A_307, %mul3A_2, %dma_wait3A_308] : memref<50x4096x128xf32, #tpu.memory_space<hbm>> -> memref<1x64x128xf32, #tpu.memory_space<hbm>>
      %dma_wait3A_310 = tpu.memref_squeeze %dma_wait3A_309 : memref<1x64x128xf32, #tpu.memory_space<hbm>> -> memref<64x128xf32, #tpu.memory_space<hbm>>
      %dma_wait3A_311 = arith.constant 0 : i32
      %dma_wait3A_312 = tpu.memref_slice %arg4[%dma_wait3A_307, %mul3A_2, %dma_wait3A_311] : memref<50x4096x128xf32, #tpu.memory_space<hbm>> -> memref<1x64x128xf32, #tpu.memory_space<hbm>>
      %dma_wait3A_313 = tpu.memref_squeeze %dma_wait3A_312 : memref<1x64x128xf32, #tpu.memory_space<hbm>> -> memref<64x128xf32, #tpu.memory_space<hbm>>
      tpu.wait_dma2 semaphore(%arg26 : memref<!tpu.dma_semaphore, #tpu.memory_space<semaphore_mem>>) src(%arg6 : memref<64x128xf32, #tpu.memory_space<vmem>>) dst(%dma_wait3A_313 : memref<64x128xf32, #tpu.memory_space<hbm>>)
      %mul3A_314 = arith.constant 10 : i32
      %mul3A_315 = arith.muli %scan3A_306, %mul3A_314 : i32
      %add3A_316 = arith.constant 0 : i32
      %add3A_317 = arith.addi %mul3A_315, %add3A_316 : i32
      %jit3A = arith.constant 2 : i32
      %div3A = arith.divsi %add3A_317, %jit3A : i32
      %sign3A = arith.constant 0 : i32
      %sign3A_318 = arith.cmpi sgt, %add3A_317, %sign3A : i32
      %sign3A_319 = arith.extui %sign3A_318 : i1 to i32
      %sign3A_320 = arith.constant 0 : i32
      %sign3A_321 = arith.cmpi slt, %add3A_317, %sign3A_320 : i32
      %sign3A_322 = arith.extui %sign3A_321 : i1 to i32
      %sign3A_323 = arith.subi %sign3A_319, %sign3A_322 : i32
      %sign3A_324 = arith.constant 0 : i32
      %sign3A_325 = arith.cmpi sgt, %jit3A, %sign3A_324 : i32
      %sign3A_326 = arith.extui %sign3A_325 : i1 to i32
      %sign3A_327 = arith.constant 0 : i32
      %sign3A_328 = arith.cmpi slt, %jit3A, %sign3A_327 : i32
      %sign3A_329 = arith.extui %sign3A_328 : i1 to i32
      %sign3A_330 = arith.subi %sign3A_326, %sign3A_329 : i32
      %ne3A = arith.cmpi ne, %sign3A_323, %sign3A_330 : i32
      %rem3A = arith.remsi %add3A_317, %jit3A : i32
      %ne3A_331 = arith.constant 0 : i32
      %ne3A_332 = arith.cmpi ne, %rem3A, %ne3A_331 : i32
      %and3A = arith.andi %ne3A, %ne3A_332 : i1
      %sub3A = arith.constant 1 : i32
      %sub3A_333 = arith.subi %div3A, %sub3A : i32
      %select_n3A = arith.select %and3A, %sub3A_333, %div3A : i32
      %jit3A_334 = arith.constant 2 : i32
      %eq3A = arith.constant 0 : i32
      %eq3A_335 = arith.cmpi eq, %jit3A_334, %eq3A : i32
      %jit3A_336 = arith.constant 1 : i32
      %select_n3A_337 = arith.select %eq3A_335, %jit3A_336, %jit3A_334 : i32
      %rem3A_338 = arith.remsi %add3A_317, %select_n3A_337 : i32
      %ne3A_339 = arith.constant 0 : i32
      %ne3A_340 = arith.cmpi ne, %rem3A_338, %ne3A_339 : i32
      %lt3A = arith.constant 0 : i32
      %lt3A_341 = arith.cmpi slt, %rem3A_338, %lt3A : i32
      %lt3A_342 = arith.constant 0 : i32
      %lt3A_343 = arith.cmpi slt, %select_n3A_337, %lt3A_342 : i32
      %ne3A_344 = arith.xori %lt3A_341, %lt3A_343 : i1
      %and3A_345 = arith.andi %ne3A_344, %ne3A_340 : i1
      %add3A_346 = arith.addi %rem3A_338, %select_n3A_337 : i32
      %select_n3A_347 = arith.select %and3A_345, %add3A_346, %rem3A_338 : i32
      %mul3A_348 = arith.constant 64 : i32
      %mul3A_349 = arith.muli %select_n3A_347, %mul3A_348 : i32
      %dma_start3A_350 = tpu.memref_slice %arg5[%select_n3A, %mul3A_349] : memref<50x128xi32, #tpu.memory_space<vmem>> -> memref<1x64xi32, #tpu.memory_space<vmem>>
      %dma_start3A_351 = tpu.memref_squeeze %dma_start3A_350 : memref<1x64xi32, #tpu.memory_space<vmem>> -> memref<64xi32, #tpu.memory_space<vmem>>
      %dma_start3A_352 = arith.constant 0 : i32
      %dma_start3A_353 = arith.constant 0 : i32
      %dma_start3A_354 = tpu.memref_slice %arg3[%dma_start3A_352, %dma_start3A_353] : memref<100000x128xf32, #tpu.memory_space<hbm>> -> memref<100000x128xf32, #tpu.memory_space<hbm>>
      tpu.enqueue_indirect_dma source(%dma_start3A_354 : memref<100000x128xf32, #tpu.memory_space<hbm>>) target(%arg6 : memref<64x128xf32, #tpu.memory_space<vmem>>) offsets(%dma_start3A_351 : memref<64xi32, #tpu.memory_space<vmem>>) semaphore(%arg16 : memref<!tpu.dma_semaphore, #tpu.memory_space<semaphore_mem>>)
      %dma_wait3A_355 = arith.constant 0 : i32
      %dma_wait3A_356 = arith.constant 0 : i32
      %dma_wait3A_357 = tpu.memref_slice %arg4[%dma_wait3A_355, %mul3A_2, %dma_wait3A_356] : memref<50x4096x128xf32, #tpu.memory_space<hbm>> -> memref<1x64x128xf32, #tpu.memory_space<hbm>>
      %dma_wait3A_358 = tpu.memref_squeeze %dma_wait3A_357 : memref<1x64x128xf32, #tpu.memory_space<hbm>> -> memref<64x128xf32, #tpu.memory_space<hbm>>
      %dma_wait3A_359 = arith.constant 0 : i32
      %dma_wait3A_360 = tpu.memref_slice %arg4[%dma_wait3A_355, %mul3A_2, %dma_wait3A_359] : memref<50x4096x128xf32, #tpu.memory_space<hbm>> -> memref<1x64x128xf32, #tpu.memory_space<hbm>>
      %dma_wait3A_361 = tpu.memref_squeeze %dma_wait3A_360 : memref<1x64x128xf32, #tpu.memory_space<hbm>> -> memref<64x128xf32, #tpu.memory_space<hbm>>
      tpu.wait_dma2 semaphore(%arg27 : memref<!tpu.dma_semaphore, #tpu.memory_space<semaphore_mem>>) src(%arg7 : memref<64x128xf32, #tpu.memory_space<vmem>>) dst(%dma_wait3A_361 : memref<64x128xf32, #tpu.memory_space<hbm>>)
      %mul3A_362 = arith.constant 10 : i32
      %mul3A_363 = arith.muli %scan3A_306, %mul3A_362 : i32
      %add3A_364 = arith.constant 1 : i32
      %add3A_365 = arith.addi %mul3A_363, %add3A_364 : i32
      %jit3A_366 = arith.constant 2 : i32
      %div3A_367 = arith.divsi %add3A_365, %jit3A_366 : i32
      %sign3A_368 = arith.constant 0 : i32
      %sign3A_369 = arith.cmpi sgt, %add3A_365, %sign3A_368 : i32
      %sign3A_370 = arith.extui %sign3A_369 : i1 to i32
      %sign3A_371 = arith.constant 0 : i32
      %sign3A_372 = arith.cmpi slt, %add3A_365, %sign3A_371 : i32
      %sign3A_373 = arith.extui %sign3A_372 : i1 to i32
      %sign3A_374 = arith.subi %sign3A_370, %sign3A_373 : i32
      %sign3A_375 = arith.constant 0 : i32
      %sign3A_376 = arith.cmpi sgt, %jit3A_366, %sign3A_375 : i32
      %sign3A_377 = arith.extui %sign3A_376 : i1 to i32
      %sign3A_378 = arith.constant 0 : i32
      %sign3A_379 = arith.cmpi slt, %jit3A_366, %sign3A_378 : i32
      %sign3A_380 = arith.extui %sign3A_379 : i1 to i32
      %sign3A_381 = arith.subi %sign3A_377, %sign3A_380 : i32
      %ne3A_382 = arith.cmpi ne, %sign3A_374, %sign3A_381 : i32
      %rem3A_383 = arith.remsi %add3A_365, %jit3A_366 : i32
      %ne3A_384 = arith.constant 0 : i32
      %ne3A_385 = arith.cmpi ne, %rem3A_383, %ne3A_384 : i32
      %and3A_386 = arith.andi %ne3A_382, %ne3A_385 : i1
      %sub3A_387 = arith.constant 1 : i32
      %sub3A_388 = arith.subi %div3A_367, %sub3A_387 : i32
      %select_n3A_389 = arith.select %and3A_386, %sub3A_388, %div3A_367 : i32
      %jit3A_390 = arith.constant 2 : i32
      %eq3A_391 = arith.constant 0 : i32
      %eq3A_392 = arith.cmpi eq, %jit3A_390, %eq3A_391 : i32
      %jit3A_393 = arith.constant 1 : i32
      %select_n3A_394 = arith.select %eq3A_392, %jit3A_393, %jit3A_390 : i32
      %rem3A_395 = arith.remsi %add3A_365, %select_n3A_394 : i32
      %ne3A_396 = arith.constant 0 : i32
      %ne3A_397 = arith.cmpi ne, %rem3A_395, %ne3A_396 : i32
      %lt3A_398 = arith.constant 0 : i32
      %lt3A_399 = arith.cmpi slt, %rem3A_395, %lt3A_398 : i32
      %lt3A_400 = arith.constant 0 : i32
      %lt3A_401 = arith.cmpi slt, %select_n3A_394, %lt3A_400 : i32
      %ne3A_402 = arith.xori %lt3A_399, %lt3A_401 : i1
      %and3A_403 = arith.andi %ne3A_402, %ne3A_397 : i1
      %add3A_404 = arith.addi %rem3A_395, %select_n3A_394 : i32
      %select_n3A_405 = arith.select %and3A_403, %add3A_404, %rem3A_395 : i32
      %mul3A_406 = arith.constant 64 : i32
      %mul3A_407 = arith.muli %select_n3A_405, %mul3A_406 : i32
      %dma_start3A_408 = tpu.memref_slice %arg5[%select_n3A_389, %mul3A_407] : memref<50x128xi32, #tpu.memory_space<vmem>> -> memref<1x64xi32, #tpu.memory_space<vmem>>
      %dma_start3A_409 = tpu.memref_squeeze %dma_start3A_408 : memref<1x64xi32, #tpu.memory_space<vmem>> -> memref<64xi32, #tpu.memory_space<vmem>>
      %dma_start3A_410 = arith.constant 0 : i32
      %dma_start3A_411 = arith.constant 0 : i32
      %dma_start3A_412 = tpu.memref_slice %arg3[%dma_start3A_410, %dma_start3A_411] : memref<100000x128xf32, #tpu.memory_space<hbm>> -> memref<100000x128xf32, #tpu.memory_space<hbm>>
      tpu.enqueue_indirect_dma source(%dma_start3A_412 : memref<100000x128xf32, #tpu.memory_space<hbm>>) target(%arg7 : memref<64x128xf32, #tpu.memory_space<vmem>>) offsets(%dma_start3A_409 : memref<64xi32, #tpu.memory_space<vmem>>) semaphore(%arg17 : memref<!tpu.dma_semaphore, #tpu.memory_space<semaphore_mem>>)
      %dma_wait3A_413 = arith.constant 0 : i32
      %dma_wait3A_414 = arith.constant 0 : i32
      %dma_wait3A_415 = tpu.memref_slice %arg4[%dma_wait3A_413, %mul3A_2, %dma_wait3A_414] : memref<50x4096x128xf32, #tpu.memory_space<hbm>> -> memref<1x64x128xf32, #tpu.memory_space<hbm>>
      %dma_wait3A_416 = tpu.memref_squeeze %dma_wait3A_415 : memref<1x64x128xf32, #tpu.memory_space<hbm>> -> memref<64x128xf32, #tpu.memory_space<hbm>>
      %dma_wait3A_417 = arith.constant 0 : i32
      %dma_wait3A_418 = tpu.memref_slice %arg4[%dma_wait3A_413, %mul3A_2, %dma_wait3A_417] : memref<50x4096x128xf32, #tpu.memory_space<hbm>> -> memref<1x64x128xf32, #tpu.memory_space<hbm>>
      %dma_wait3A_419 = tpu.memref_squeeze %dma_wait3A_418 : memref<1x64x128xf32, #tpu.memory_space<hbm>> -> memref<64x128xf32, #tpu.memory_space<hbm>>
      tpu.wait_dma2 semaphore(%arg28 : memref<!tpu.dma_semaphore, #tpu.memory_space<semaphore_mem>>) src(%arg8 : memref<64x128xf32, #tpu.memory_space<vmem>>) dst(%dma_wait3A_419 : memref<64x128xf32, #tpu.memory_space<hbm>>)
      %mul3A_420 = arith.constant 10 : i32
      %mul3A_421 = arith.muli %scan3A_306, %mul3A_420 : i32
      %add3A_422 = arith.constant 2 : i32
      %add3A_423 = arith.addi %mul3A_421, %add3A_422 : i32
      %jit3A_424 = arith.constant 2 : i32
      %div3A_425 = arith.divsi %add3A_423, %jit3A_424 : i32
      %sign3A_426 = arith.constant 0 : i32
      %sign3A_427 = arith.cmpi sgt, %add3A_423, %sign3A_426 : i32
      %sign3A_428 = arith.extui %sign3A_427 : i1 to i32
      %sign3A_429 = arith.constant 0 : i32
      %sign3A_430 = arith.cmpi slt, %add3A_423, %sign3A_429 : i32
      %sign3A_431 = arith.extui %sign3A_430 : i1 to i32
      %sign3A_432 = arith.subi %sign3A_428, %sign3A_431 : i32
      %sign3A_433 = arith.constant 0 : i32
      %sign3A_434 = arith.cmpi sgt, %jit3A_424, %sign3A_433 : i32
      %sign3A_435 = arith.extui %sign3A_434 : i1 to i32
      %sign3A_436 = arith.constant 0 : i32
      %sign3A_437 = arith.cmpi slt, %jit3A_424, %sign3A_436 : i32
      %sign3A_438 = arith.extui %sign3A_437 : i1 to i32
      %sign3A_439 = arith.subi %sign3A_435, %sign3A_438 : i32
      %ne3A_440 = arith.cmpi ne, %sign3A_432, %sign3A_439 : i32
      %rem3A_441 = arith.remsi %add3A_423, %jit3A_424 : i32
      %ne3A_442 = arith.constant 0 : i32
      %ne3A_443 = arith.cmpi ne, %rem3A_441, %ne3A_442 : i32
      %and3A_444 = arith.andi %ne3A_440, %ne3A_443 : i1
      %sub3A_445 = arith.constant 1 : i32
      %sub3A_446 = arith.subi %div3A_425, %sub3A_445 : i32
      %select_n3A_447 = arith.select %and3A_444, %sub3A_446, %div3A_425 : i32
      %jit3A_448 = arith.constant 2 : i32
      %eq3A_449 = arith.constant 0 : i32
      %eq3A_450 = arith.cmpi eq, %jit3A_448, %eq3A_449 : i32
      %jit3A_451 = arith.constant 1 : i32
      %select_n3A_452 = arith.select %eq3A_450, %jit3A_451, %jit3A_448 : i32
      %rem3A_453 = arith.remsi %add3A_423, %select_n3A_452 : i32
      %ne3A_454 = arith.constant 0 : i32
      %ne3A_455 = arith.cmpi ne, %rem3A_453, %ne3A_454 : i32
      %lt3A_456 = arith.constant 0 : i32
      %lt3A_457 = arith.cmpi slt, %rem3A_453, %lt3A_456 : i32
      %lt3A_458 = arith.constant 0 : i32
      %lt3A_459 = arith.cmpi slt, %select_n3A_452, %lt3A_458 : i32
      %ne3A_460 = arith.xori %lt3A_457, %lt3A_459 : i1
      %and3A_461 = arith.andi %ne3A_460, %ne3A_455 : i1
      %add3A_462 = arith.addi %rem3A_453, %select_n3A_452 : i32
      %select_n3A_463 = arith.select %and3A_461, %add3A_462, %rem3A_453 : i32
      %mul3A_464 = arith.constant 64 : i32
      %mul3A_465 = arith.muli %select_n3A_463, %mul3A_464 : i32
      %dma_start3A_466 = tpu.memref_slice %arg5[%select_n3A_447, %mul3A_465] : memref<50x128xi32, #tpu.memory_space<vmem>> -> memref<1x64xi32, #tpu.memory_space<vmem>>
      %dma_start3A_467 = tpu.memref_squeeze %dma_start3A_466 : memref<1x64xi32, #tpu.memory_space<vmem>> -> memref<64xi32, #tpu.memory_space<vmem>>
      %dma_start3A_468 = arith.constant 0 : i32
      %dma_start3A_469 = arith.constant 0 : i32
      %dma_start3A_470 = tpu.memref_slice %arg3[%dma_start3A_468, %dma_start3A_469] : memref<100000x128xf32, #tpu.memory_space<hbm>> -> memref<100000x128xf32, #tpu.memory_space<hbm>>
      tpu.enqueue_indirect_dma source(%dma_start3A_470 : memref<100000x128xf32, #tpu.memory_space<hbm>>) target(%arg8 : memref<64x128xf32, #tpu.memory_space<vmem>>) offsets(%dma_start3A_467 : memref<64xi32, #tpu.memory_space<vmem>>) semaphore(%arg18 : memref<!tpu.dma_semaphore, #tpu.memory_space<semaphore_mem>>)
      %dma_wait3A_471 = arith.constant 0 : i32
      %dma_wait3A_472 = arith.constant 0 : i32
      %dma_wait3A_473 = tpu.memref_slice %arg4[%dma_wait3A_471, %mul3A_2, %dma_wait3A_472] : memref<50x4096x128xf32, #tpu.memory_space<hbm>> -> memref<1x64x128xf32, #tpu.memory_space<hbm>>
      %dma_wait3A_474 = tpu.memref_squeeze %dma_wait3A_473 : memref<1x64x128xf32, #tpu.memory_space<hbm>> -> memref<64x128xf32, #tpu.memory_space<hbm>>
      %dma_wait3A_475 = arith.constant 0 : i32
      %dma_wait3A_476 = tpu.memref_slice %arg4[%dma_wait3A_471, %mul3A_2, %dma_wait3A_475] : memref<50x4096x128xf32, #tpu.memory_space<hbm>> -> memref<1x64x128xf32, #tpu.memory_space<hbm>>
      %dma_wait3A_477 = tpu.memref_squeeze %dma_wait3A_476 : memref<1x64x128xf32, #tpu.memory_space<hbm>> -> memref<64x128xf32, #tpu.memory_space<hbm>>
      tpu.wait_dma2 semaphore(%arg29 : memref<!tpu.dma_semaphore, #tpu.memory_space<semaphore_mem>>) src(%arg9 : memref<64x128xf32, #tpu.memory_space<vmem>>) dst(%dma_wait3A_477 : memref<64x128xf32, #tpu.memory_space<hbm>>)
      %mul3A_478 = arith.constant 10 : i32
      %mul3A_479 = arith.muli %scan3A_306, %mul3A_478 : i32
      %add3A_480 = arith.constant 3 : i32
      %add3A_481 = arith.addi %mul3A_479, %add3A_480 : i32
      %jit3A_482 = arith.constant 2 : i32
      %div3A_483 = arith.divsi %add3A_481, %jit3A_482 : i32
      %sign3A_484 = arith.constant 0 : i32
      %sign3A_485 = arith.cmpi sgt, %add3A_481, %sign3A_484 : i32
      %sign3A_486 = arith.extui %sign3A_485 : i1 to i32
      %sign3A_487 = arith.constant 0 : i32
      %sign3A_488 = arith.cmpi slt, %add3A_481, %sign3A_487 : i32
      %sign3A_489 = arith.extui %sign3A_488 : i1 to i32
      %sign3A_490 = arith.subi %sign3A_486, %sign3A_489 : i32
      %sign3A_491 = arith.constant 0 : i32
      %sign3A_492 = arith.cmpi sgt, %jit3A_482, %sign3A_491 : i32
      %sign3A_493 = arith.extui %sign3A_492 : i1 to i32
      %sign3A_494 = arith.constant 0 : i32
      %sign3A_495 = arith.cmpi slt, %jit3A_482, %sign3A_494 : i32
      %sign3A_496 = arith.extui %sign3A_495 : i1 to i32
      %sign3A_497 = arith.subi %sign3A_493, %sign3A_496 : i32
      %ne3A_498 = arith.cmpi ne, %sign3A_490, %sign3A_497 : i32
      %rem3A_499 = arith.remsi %add3A_481, %jit3A_482 : i32
      %ne3A_500 = arith.constant 0 : i32
      %ne3A_501 = arith.cmpi ne, %rem3A_499, %ne3A_500 : i32
      %and3A_502 = arith.andi %ne3A_498, %ne3A_501 : i1
      %sub3A_503 = arith.constant 1 : i32
      %sub3A_504 = arith.subi %div3A_483, %sub3A_503 : i32
      %select_n3A_505 = arith.select %and3A_502, %sub3A_504, %div3A_483 : i32
      %jit3A_506 = arith.constant 2 : i32
      %eq3A_507 = arith.constant 0 : i32
      %eq3A_508 = arith.cmpi eq, %jit3A_506, %eq3A_507 : i32
      %jit3A_509 = arith.constant 1 : i32
      %select_n3A_510 = arith.select %eq3A_508, %jit3A_509, %jit3A_506 : i32
      %rem3A_511 = arith.remsi %add3A_481, %select_n3A_510 : i32
      %ne3A_512 = arith.constant 0 : i32
      %ne3A_513 = arith.cmpi ne, %rem3A_511, %ne3A_512 : i32
      %lt3A_514 = arith.constant 0 : i32
      %lt3A_515 = arith.cmpi slt, %rem3A_511, %lt3A_514 : i32
      %lt3A_516 = arith.constant 0 : i32
      %lt3A_517 = arith.cmpi slt, %select_n3A_510, %lt3A_516 : i32
      %ne3A_518 = arith.xori %lt3A_515, %lt3A_517 : i1
      %and3A_519 = arith.andi %ne3A_518, %ne3A_513 : i1
      %add3A_520 = arith.addi %rem3A_511, %select_n3A_510 : i32
      %select_n3A_521 = arith.select %and3A_519, %add3A_520, %rem3A_511 : i32
      %mul3A_522 = arith.constant 64 : i32
      %mul3A_523 = arith.muli %select_n3A_521, %mul3A_522 : i32
      %dma_start3A_524 = tpu.memref_slice %arg5[%select_n3A_505, %mul3A_523] : memref<50x128xi32, #tpu.memory_space<vmem>> -> memref<1x64xi32, #tpu.memory_space<vmem>>
      %dma_start3A_525 = tpu.memref_squeeze %dma_start3A_524 : memref<1x64xi32, #tpu.memory_space<vmem>> -> memref<64xi32, #tpu.memory_space<vmem>>
      %dma_start3A_526 = arith.constant 0 : i32
      %dma_start3A_527 = arith.constant 0 : i32
      %dma_start3A_528 = tpu.memref_slice %arg3[%dma_start3A_526, %dma_start3A_527] : memref<100000x128xf32, #tpu.memory_space<hbm>> -> memref<100000x128xf32, #tpu.memory_space<hbm>>
      tpu.enqueue_indirect_dma source(%dma_start3A_528 : memref<100000x128xf32, #tpu.memory_space<hbm>>) target(%arg9 : memref<64x128xf32, #tpu.memory_space<vmem>>) offsets(%dma_start3A_525 : memref<64xi32, #tpu.memory_space<vmem>>) semaphore(%arg19 : memref<!tpu.dma_semaphore, #tpu.memory_space<semaphore_mem>>)
      %dma_wait3A_529 = arith.constant 0 : i32
      %dma_wait3A_530 = arith.constant 0 : i32
      %dma_wait3A_531 = tpu.memref_slice %arg4[%dma_wait3A_529, %mul3A_2, %dma_wait3A_530] : memref<50x4096x128xf32, #tpu.memory_space<hbm>> -> memref<1x64x128xf32, #tpu.memory_space<hbm>>
      %dma_wait3A_532 = tpu.memref_squeeze %dma_wait3A_531 : memref<1x64x128xf32, #tpu.memory_space<hbm>> -> memref<64x128xf32, #tpu.memory_space<hbm>>
      %dma_wait3A_533 = arith.constant 0 : i32
      %dma_wait3A_534 = tpu.memref_slice %arg4[%dma_wait3A_529, %mul3A_2, %dma_wait3A_533] : memref<50x4096x128xf32, #tpu.memory_space<hbm>> -> memref<1x64x128xf32, #tpu.memory_space<hbm>>
      %dma_wait3A_535 = tpu.memref_squeeze %dma_wait3A_534 : memref<1x64x128xf32, #tpu.memory_space<hbm>> -> memref<64x128xf32, #tpu.memory_space<hbm>>
      tpu.wait_dma2 semaphore(%arg30 : memref<!tpu.dma_semaphore, #tpu.memory_space<semaphore_mem>>) src(%arg10 : memref<64x128xf32, #tpu.memory_space<vmem>>) dst(%dma_wait3A_535 : memref<64x128xf32, #tpu.memory_space<hbm>>)
      %mul3A_536 = arith.constant 10 : i32
      %mul3A_537 = arith.muli %scan3A_306, %mul3A_536 : i32
      %add3A_538 = arith.constant 4 : i32
      %add3A_539 = arith.addi %mul3A_537, %add3A_538 : i32
      %jit3A_540 = arith.constant 2 : i32
      %div3A_541 = arith.divsi %add3A_539, %jit3A_540 : i32
      %sign3A_542 = arith.constant 0 : i32
      %sign3A_543 = arith.cmpi sgt, %add3A_539, %sign3A_542 : i32
      %sign3A_544 = arith.extui %sign3A_543 : i1 to i32
      %sign3A_545 = arith.constant 0 : i32
      %sign3A_546 = arith.cmpi slt, %add3A_539, %sign3A_545 : i32
      %sign3A_547 = arith.extui %sign3A_546 : i1 to i32
      %sign3A_548 = arith.subi %sign3A_544, %sign3A_547 : i32
      %sign3A_549 = arith.constant 0 : i32
      %sign3A_550 = arith.cmpi sgt, %jit3A_540, %sign3A_549 : i32
      %sign3A_551 = arith.extui %sign3A_550 : i1 to i32
      %sign3A_552 = arith.constant 0 : i32
      %sign3A_553 = arith.cmpi slt, %jit3A_540, %sign3A_552 : i32
      %sign3A_554 = arith.extui %sign3A_553 : i1 to i32
      %sign3A_555 = arith.subi %sign3A_551, %sign3A_554 : i32
      %ne3A_556 = arith.cmpi ne, %sign3A_548, %sign3A_555 : i32
      %rem3A_557 = arith.remsi %add3A_539, %jit3A_540 : i32
      %ne3A_558 = arith.constant 0 : i32
      %ne3A_559 = arith.cmpi ne, %rem3A_557, %ne3A_558 : i32
      %and3A_560 = arith.andi %ne3A_556, %ne3A_559 : i1
      %sub3A_561 = arith.constant 1 : i32
      %sub3A_562 = arith.subi %div3A_541, %sub3A_561 : i32
      %select_n3A_563 = arith.select %and3A_560, %sub3A_562, %div3A_541 : i32
      %jit3A_564 = arith.constant 2 : i32
      %eq3A_565 = arith.constant 0 : i32
      %eq3A_566 = arith.cmpi eq, %jit3A_564, %eq3A_565 : i32
      %jit3A_567 = arith.constant 1 : i32
      %select_n3A_568 = arith.select %eq3A_566, %jit3A_567, %jit3A_564 : i32
      %rem3A_569 = arith.remsi %add3A_539, %select_n3A_568 : i32
      %ne3A_570 = arith.constant 0 : i32
      %ne3A_571 = arith.cmpi ne, %rem3A_569, %ne3A_570 : i32
      %lt3A_572 = arith.constant 0 : i32
      %lt3A_573 = arith.cmpi slt, %rem3A_569, %lt3A_572 : i32
      %lt3A_574 = arith.constant 0 : i32
      %lt3A_575 = arith.cmpi slt, %select_n3A_568, %lt3A_574 : i32
      %ne3A_576 = arith.xori %lt3A_573, %lt3A_575 : i1
      %and3A_577 = arith.andi %ne3A_576, %ne3A_571 : i1
      %add3A_578 = arith.addi %rem3A_569, %select_n3A_568 : i32
      %select_n3A_579 = arith.select %and3A_577, %add3A_578, %rem3A_569 : i32
      %mul3A_580 = arith.constant 64 : i32
      %mul3A_581 = arith.muli %select_n3A_579, %mul3A_580 : i32
      %dma_start3A_582 = tpu.memref_slice %arg5[%select_n3A_563, %mul3A_581] : memref<50x128xi32, #tpu.memory_space<vmem>> -> memref<1x64xi32, #tpu.memory_space<vmem>>
      %dma_start3A_583 = tpu.memref_squeeze %dma_start3A_582 : memref<1x64xi32, #tpu.memory_space<vmem>> -> memref<64xi32, #tpu.memory_space<vmem>>
      %dma_start3A_584 = arith.constant 0 : i32
      %dma_start3A_585 = arith.constant 0 : i32
      %dma_start3A_586 = tpu.memref_slice %arg3[%dma_start3A_584, %dma_start3A_585] : memref<100000x128xf32, #tpu.memory_space<hbm>> -> memref<100000x128xf32, #tpu.memory_space<hbm>>
      tpu.enqueue_indirect_dma source(%dma_start3A_586 : memref<100000x128xf32, #tpu.memory_space<hbm>>) target(%arg10 : memref<64x128xf32, #tpu.memory_space<vmem>>) offsets(%dma_start3A_583 : memref<64xi32, #tpu.memory_space<vmem>>) semaphore(%arg20 : memref<!tpu.dma_semaphore, #tpu.memory_space<semaphore_mem>>)
      %dma_wait3A_587 = arith.constant 0 : i32
      %dma_wait3A_588 = arith.constant 0 : i32
      %dma_wait3A_589 = tpu.memref_slice %arg4[%dma_wait3A_587, %mul3A_2, %dma_wait3A_588] : memref<50x4096x128xf32, #tpu.memory_space<hbm>> -> memref<1x64x128xf32, #tpu.memory_space<hbm>>
      %dma_wait3A_590 = tpu.memref_squeeze %dma_wait3A_589 : memref<1x64x128xf32, #tpu.memory_space<hbm>> -> memref<64x128xf32, #tpu.memory_space<hbm>>
      %dma_wait3A_591 = arith.constant 0 : i32
      %dma_wait3A_592 = tpu.memref_slice %arg4[%dma_wait3A_587, %mul3A_2, %dma_wait3A_591] : memref<50x4096x128xf32, #tpu.memory_space<hbm>> -> memref<1x64x128xf32, #tpu.memory_space<hbm>>
      %dma_wait3A_593 = tpu.memref_squeeze %dma_wait3A_592 : memref<1x64x128xf32, #tpu.memory_space<hbm>> -> memref<64x128xf32, #tpu.memory_space<hbm>>
      tpu.wait_dma2 semaphore(%arg31 : memref<!tpu.dma_semaphore, #tpu.memory_space<semaphore_mem>>) src(%arg11 : memref<64x128xf32, #tpu.memory_space<vmem>>) dst(%dma_wait3A_593 : memref<64x128xf32, #tpu.memory_space<hbm>>)
      %mul3A_594 = arith.constant 10 : i32
      %mul3A_595 = arith.muli %scan3A_306, %mul3A_594 : i32
      %add3A_596 = arith.constant 5 : i32
      %add3A_597 = arith.addi %mul3A_595, %add3A_596 : i32
      %jit3A_598 = arith.constant 2 : i32
      %div3A_599 = arith.divsi %add3A_597, %jit3A_598 : i32
      %sign3A_600 = arith.constant 0 : i32
      %sign3A_601 = arith.cmpi sgt, %add3A_597, %sign3A_600 : i32
      %sign3A_602 = arith.extui %sign3A_601 : i1 to i32
      %sign3A_603 = arith.constant 0 : i32
      %sign3A_604 = arith.cmpi slt, %add3A_597, %sign3A_603 : i32
      %sign3A_605 = arith.extui %sign3A_604 : i1 to i32
      %sign3A_606 = arith.subi %sign3A_602, %sign3A_605 : i32
      %sign3A_607 = arith.constant 0 : i32
      %sign3A_608 = arith.cmpi sgt, %jit3A_598, %sign3A_607 : i32
      %sign3A_609 = arith.extui %sign3A_608 : i1 to i32
      %sign3A_610 = arith.constant 0 : i32
      %sign3A_611 = arith.cmpi slt, %jit3A_598, %sign3A_610 : i32
      %sign3A_612 = arith.extui %sign3A_611 : i1 to i32
      %sign3A_613 = arith.subi %sign3A_609, %sign3A_612 : i32
      %ne3A_614 = arith.cmpi ne, %sign3A_606, %sign3A_613 : i32
      %rem3A_615 = arith.remsi %add3A_597, %jit3A_598 : i32
      %ne3A_616 = arith.constant 0 : i32
      %ne3A_617 = arith.cmpi ne, %rem3A_615, %ne3A_616 : i32
      %and3A_618 = arith.andi %ne3A_614, %ne3A_617 : i1
      %sub3A_619 = arith.constant 1 : i32
      %sub3A_620 = arith.subi %div3A_599, %sub3A_619 : i32
      %select_n3A_621 = arith.select %and3A_618, %sub3A_620, %div3A_599 : i32
      %jit3A_622 = arith.constant 2 : i32
      %eq3A_623 = arith.constant 0 : i32
      %eq3A_624 = arith.cmpi eq, %jit3A_622, %eq3A_623 : i32
      %jit3A_625 = arith.constant 1 : i32
      %select_n3A_626 = arith.select %eq3A_624, %jit3A_625, %jit3A_622 : i32
      %rem3A_627 = arith.remsi %add3A_597, %select_n3A_626 : i32
      %ne3A_628 = arith.constant 0 : i32
      %ne3A_629 = arith.cmpi ne, %rem3A_627, %ne3A_628 : i32
      %lt3A_630 = arith.constant 0 : i32
      %lt3A_631 = arith.cmpi slt, %rem3A_627, %lt3A_630 : i32
      %lt3A_632 = arith.constant 0 : i32
      %lt3A_633 = arith.cmpi slt, %select_n3A_626, %lt3A_632 : i32
      %ne3A_634 = arith.xori %lt3A_631, %lt3A_633 : i1
      %and3A_635 = arith.andi %ne3A_634, %ne3A_629 : i1
      %add3A_636 = arith.addi %rem3A_627, %select_n3A_626 : i32
      %select_n3A_637 = arith.select %and3A_635, %add3A_636, %rem3A_627 : i32
      %mul3A_638 = arith.constant 64 : i32
      %mul3A_639 = arith.muli %select_n3A_637, %mul3A_638 : i32
      %dma_start3A_640 = tpu.memref_slice %arg5[%select_n3A_621, %mul3A_639] : memref<50x128xi32, #tpu.memory_space<vmem>> -> memref<1x64xi32, #tpu.memory_space<vmem>>
      %dma_start3A_641 = tpu.memref_squeeze %dma_start3A_640 : memref<1x64xi32, #tpu.memory_space<vmem>> -> memref<64xi32, #tpu.memory_space<vmem>>
      %dma_start3A_642 = arith.constant 0 : i32
      %dma_start3A_643 = arith.constant 0 : i32
      %dma_start3A_644 = tpu.memref_slice %arg3[%dma_start3A_642, %dma_start3A_643] : memref<100000x128xf32, #tpu.memory_space<hbm>> -> memref<100000x128xf32, #tpu.memory_space<hbm>>
      tpu.enqueue_indirect_dma source(%dma_start3A_644 : memref<100000x128xf32, #tpu.memory_space<hbm>>) target(%arg11 : memref<64x128xf32, #tpu.memory_space<vmem>>) offsets(%dma_start3A_641 : memref<64xi32, #tpu.memory_space<vmem>>) semaphore(%arg21 : memref<!tpu.dma_semaphore, #tpu.memory_space<semaphore_mem>>)
      %dma_wait3A_645 = arith.constant 0 : i32
      %dma_wait3A_646 = arith.constant 0 : i32
      %dma_wait3A_647 = tpu.memref_slice %arg4[%dma_wait3A_645, %mul3A_2, %dma_wait3A_646] : memref<50x4096x128xf32, #tpu.memory_space<hbm>> -> memref<1x64x128xf32, #tpu.memory_space<hbm>>
      %dma_wait3A_648 = tpu.memref_squeeze %dma_wait3A_647 : memref<1x64x128xf32, #tpu.memory_space<hbm>> -> memref<64x128xf32, #tpu.memory_space<hbm>>
      %dma_wait3A_649 = arith.constant 0 : i32
      %dma_wait3A_650 = tpu.memref_slice %arg4[%dma_wait3A_645, %mul3A_2, %dma_wait3A_649] : memref<50x4096x128xf32, #tpu.memory_space<hbm>> -> memref<1x64x128xf32, #tpu.memory_space<hbm>>
      %dma_wait3A_651 = tpu.memref_squeeze %dma_wait3A_650 : memref<1x64x128xf32, #tpu.memory_space<hbm>> -> memref<64x128xf32, #tpu.memory_space<hbm>>
      tpu.wait_dma2 semaphore(%arg32 : memref<!tpu.dma_semaphore, #tpu.memory_space<semaphore_mem>>) src(%arg12 : memref<64x128xf32, #tpu.memory_space<vmem>>) dst(%dma_wait3A_651 : memref<64x128xf32, #tpu.memory_space<hbm>>)
      %mul3A_652 = arith.constant 10 : i32
      %mul3A_653 = arith.muli %scan3A_306, %mul3A_652 : i32
      %add3A_654 = arith.constant 6 : i32
      %add3A_655 = arith.addi %mul3A_653, %add3A_654 : i32
      %jit3A_656 = arith.constant 2 : i32
      %div3A_657 = arith.divsi %add3A_655, %jit3A_656 : i32
      %sign3A_658 = arith.constant 0 : i32
      %sign3A_659 = arith.cmpi sgt, %add3A_655, %sign3A_658 : i32
      %sign3A_660 = arith.extui %sign3A_659 : i1 to i32
      %sign3A_661 = arith.constant 0 : i32
      %sign3A_662 = arith.cmpi slt, %add3A_655, %sign3A_661 : i32
      %sign3A_663 = arith.extui %sign3A_662 : i1 to i32
      %sign3A_664 = arith.subi %sign3A_660, %sign3A_663 : i32
      %sign3A_665 = arith.constant 0 : i32
      %sign3A_666 = arith.cmpi sgt, %jit3A_656, %sign3A_665 : i32
      %sign3A_667 = arith.extui %sign3A_666 : i1 to i32
      %sign3A_668 = arith.constant 0 : i32
      %sign3A_669 = arith.cmpi slt, %jit3A_656, %sign3A_668 : i32
      %sign3A_670 = arith.extui %sign3A_669 : i1 to i32
      %sign3A_671 = arith.subi %sign3A_667, %sign3A_670 : i32
      %ne3A_672 = arith.cmpi ne, %sign3A_664, %sign3A_671 : i32
      %rem3A_673 = arith.remsi %add3A_655, %jit3A_656 : i32
      %ne3A_674 = arith.constant 0 : i32
      %ne3A_675 = arith.cmpi ne, %rem3A_673, %ne3A_674 : i32
      %and3A_676 = arith.andi %ne3A_672, %ne3A_675 : i1
      %sub3A_677 = arith.constant 1 : i32
      %sub3A_678 = arith.subi %div3A_657, %sub3A_677 : i32
      %select_n3A_679 = arith.select %and3A_676, %sub3A_678, %div3A_657 : i32
      %jit3A_680 = arith.constant 2 : i32
      %eq3A_681 = arith.constant 0 : i32
      %eq3A_682 = arith.cmpi eq, %jit3A_680, %eq3A_681 : i32
      %jit3A_683 = arith.constant 1 : i32
      %select_n3A_684 = arith.select %eq3A_682, %jit3A_683, %jit3A_680 : i32
      %rem3A_685 = arith.remsi %add3A_655, %select_n3A_684 : i32
      %ne3A_686 = arith.constant 0 : i32
      %ne3A_687 = arith.cmpi ne, %rem3A_685, %ne3A_686 : i32
      %lt3A_688 = arith.constant 0 : i32
      %lt3A_689 = arith.cmpi slt, %rem3A_685, %lt3A_688 : i32
      %lt3A_690 = arith.constant 0 : i32
      %lt3A_691 = arith.cmpi slt, %select_n3A_684, %lt3A_690 : i32
      %ne3A_692 = arith.xori %lt3A_689, %lt3A_691 : i1
      %and3A_693 = arith.andi %ne3A_692, %ne3A_687 : i1
      %add3A_694 = arith.addi %rem3A_685, %select_n3A_684 : i32
      %select_n3A_695 = arith.select %and3A_693, %add3A_694, %rem3A_685 : i32
      %mul3A_696 = arith.constant 64 : i32
      %mul3A_697 = arith.muli %select_n3A_695, %mul3A_696 : i32
      %dma_start3A_698 = tpu.memref_slice %arg5[%select_n3A_679, %mul3A_697] : memref<50x128xi32, #tpu.memory_space<vmem>> -> memref<1x64xi32, #tpu.memory_space<vmem>>
      %dma_start3A_699 = tpu.memref_squeeze %dma_start3A_698 : memref<1x64xi32, #tpu.memory_space<vmem>> -> memref<64xi32, #tpu.memory_space<vmem>>
      %dma_start3A_700 = arith.constant 0 : i32
      %dma_start3A_701 = arith.constant 0 : i32
      %dma_start3A_702 = tpu.memref_slice %arg3[%dma_start3A_700, %dma_start3A_701] : memref<100000x128xf32, #tpu.memory_space<hbm>> -> memref<100000x128xf32, #tpu.memory_space<hbm>>
      tpu.enqueue_indirect_dma source(%dma_start3A_702 : memref<100000x128xf32, #tpu.memory_space<hbm>>) target(%arg12 : memref<64x128xf32, #tpu.memory_space<vmem>>) offsets(%dma_start3A_699 : memref<64xi32, #tpu.memory_space<vmem>>) semaphore(%arg22 : memref<!tpu.dma_semaphore, #tpu.memory_space<semaphore_mem>>)
      %dma_wait3A_703 = arith.constant 0 : i32
      %dma_wait3A_704 = arith.constant 0 : i32
      %dma_wait3A_705 = tpu.memref_slice %arg4[%dma_wait3A_703, %mul3A_2, %dma_wait3A_704] : memref<50x4096x128xf32, #tpu.memory_space<hbm>> -> memref<1x64x128xf32, #tpu.memory_space<hbm>>
      %dma_wait3A_706 = tpu.memref_squeeze %dma_wait3A_705 : memref<1x64x128xf32, #tpu.memory_space<hbm>> -> memref<64x128xf32, #tpu.memory_space<hbm>>
      %dma_wait3A_707 = arith.constant 0 : i32
      %dma_wait3A_708 = tpu.memref_slice %arg4[%dma_wait3A_703, %mul3A_2, %dma_wait3A_707] : memref<50x4096x128xf32, #tpu.memory_space<hbm>> -> memref<1x64x128xf32, #tpu.memory_space<hbm>>
      %dma_wait3A_709 = tpu.memref_squeeze %dma_wait3A_708 : memref<1x64x128xf32, #tpu.memory_space<hbm>> -> memref<64x128xf32, #tpu.memory_space<hbm>>
      tpu.wait_dma2 semaphore(%arg33 : memref<!tpu.dma_semaphore, #tpu.memory_space<semaphore_mem>>) src(%arg13 : memref<64x128xf32, #tpu.memory_space<vmem>>) dst(%dma_wait3A_709 : memref<64x128xf32, #tpu.memory_space<hbm>>)
      %mul3A_710 = arith.constant 10 : i32
      %mul3A_711 = arith.muli %scan3A_306, %mul3A_710 : i32
      %add3A_712 = arith.constant 7 : i32
      %add3A_713 = arith.addi %mul3A_711, %add3A_712 : i32
      %jit3A_714 = arith.constant 2 : i32
      %div3A_715 = arith.divsi %add3A_713, %jit3A_714 : i32
      %sign3A_716 = arith.constant 0 : i32
      %sign3A_717 = arith.cmpi sgt, %add3A_713, %sign3A_716 : i32
      %sign3A_718 = arith.extui %sign3A_717 : i1 to i32
      %sign3A_719 = arith.constant 0 : i32
      %sign3A_720 = arith.cmpi slt, %add3A_713, %sign3A_719 : i32
      %sign3A_721 = arith.extui %sign3A_720 : i1 to i32
      %sign3A_722 = arith.subi %sign3A_718, %sign3A_721 : i32
      %sign3A_723 = arith.constant 0 : i32
      %sign3A_724 = arith.cmpi sgt, %jit3A_714, %sign3A_723 : i32
      %sign3A_725 = arith.extui %sign3A_724 : i1 to i32
      %sign3A_726 = arith.constant 0 : i32
      %sign3A_727 = arith.cmpi slt, %jit3A_714, %sign3A_726 : i32
      %sign3A_728 = arith.extui %sign3A_727 : i1 to i32
      %sign3A_729 = arith.subi %sign3A_725, %sign3A_728 : i32
      %ne3A_730 = arith.cmpi ne, %sign3A_722, %sign3A_729 : i32
      %rem3A_731 = arith.remsi %add3A_713, %jit3A_714 : i32
      %ne3A_732 = arith.constant 0 : i32
      %ne3A_733 = arith.cmpi ne, %rem3A_731, %ne3A_732 : i32
      %and3A_734 = arith.andi %ne3A_730, %ne3A_733 : i1
      %sub3A_735 = arith.constant 1 : i32
      %sub3A_736 = arith.subi %div3A_715, %sub3A_735 : i32
      %select_n3A_737 = arith.select %and3A_734, %sub3A_736, %div3A_715 : i32
      %jit3A_738 = arith.constant 2 : i32
      %eq3A_739 = arith.constant 0 : i32
      %eq3A_740 = arith.cmpi eq, %jit3A_738, %eq3A_739 : i32
      %jit3A_741 = arith.constant 1 : i32
      %select_n3A_742 = arith.select %eq3A_740, %jit3A_741, %jit3A_738 : i32
      %rem3A_743 = arith.remsi %add3A_713, %select_n3A_742 : i32
      %ne3A_744 = arith.constant 0 : i32
      %ne3A_745 = arith.cmpi ne, %rem3A_743, %ne3A_744 : i32
      %lt3A_746 = arith.constant 0 : i32
      %lt3A_747 = arith.cmpi slt, %rem3A_743, %lt3A_746 : i32
      %lt3A_748 = arith.constant 0 : i32
      %lt3A_749 = arith.cmpi slt, %select_n3A_742, %lt3A_748 : i32
      %ne3A_750 = arith.xori %lt3A_747, %lt3A_749 : i1
      %and3A_751 = arith.andi %ne3A_750, %ne3A_745 : i1
      %add3A_752 = arith.addi %rem3A_743, %select_n3A_742 : i32
      %select_n3A_753 = arith.select %and3A_751, %add3A_752, %rem3A_743 : i32
      %mul3A_754 = arith.constant 64 : i32
      %mul3A_755 = arith.muli %select_n3A_753, %mul3A_754 : i32
      %dma_start3A_756 = tpu.memref_slice %arg5[%select_n3A_737, %mul3A_755] : memref<50x128xi32, #tpu.memory_space<vmem>> -> memref<1x64xi32, #tpu.memory_space<vmem>>
      %dma_start3A_757 = tpu.memref_squeeze %dma_start3A_756 : memref<1x64xi32, #tpu.memory_space<vmem>> -> memref<64xi32, #tpu.memory_space<vmem>>
      %dma_start3A_758 = arith.constant 0 : i32
      %dma_start3A_759 = arith.constant 0 : i32
      %dma_start3A_760 = tpu.memref_slice %arg3[%dma_start3A_758, %dma_start3A_759] : memref<100000x128xf32, #tpu.memory_space<hbm>> -> memref<100000x128xf32, #tpu.memory_space<hbm>>
      tpu.enqueue_indirect_dma source(%dma_start3A_760 : memref<100000x128xf32, #tpu.memory_space<hbm>>) target(%arg13 : memref<64x128xf32, #tpu.memory_space<vmem>>) offsets(%dma_start3A_757 : memref<64xi32, #tpu.memory_space<vmem>>) semaphore(%arg23 : memref<!tpu.dma_semaphore, #tpu.memory_space<semaphore_mem>>)
      %dma_wait3A_761 = arith.constant 0 : i32
      %dma_wait3A_762 = arith.constant 0 : i32
      %dma_wait3A_763 = tpu.memref_slice %arg4[%dma_wait3A_761, %mul3A_2, %dma_wait3A_762] : memref<50x4096x128xf32, #tpu.memory_space<hbm>> -> memref<1x64x128xf32, #tpu.memory_space<hbm>>
      %dma_wait3A_764 = tpu.memref_squeeze %dma_wait3A_763 : memref<1x64x128xf32, #tpu.memory_space<hbm>> -> memref<64x128xf32, #tpu.memory_space<hbm>>
      %dma_wait3A_765 = arith.constant 0 : i32
      %dma_wait3A_766 = tpu.memref_slice %arg4[%dma_wait3A_761, %mul3A_2, %dma_wait3A_765] : memref<50x4096x128xf32, #tpu.memory_space<hbm>> -> memref<1x64x128xf32, #tpu.memory_space<hbm>>
      %dma_wait3A_767 = tpu.memref_squeeze %dma_wait3A_766 : memref<1x64x128xf32, #tpu.memory_space<hbm>> -> memref<64x128xf32, #tpu.memory_space<hbm>>
      tpu.wait_dma2 semaphore(%arg34 : memref<!tpu.dma_semaphore, #tpu.memory_space<semaphore_mem>>) src(%arg14 : memref<64x128xf32, #tpu.memory_space<vmem>>) dst(%dma_wait3A_767 : memref<64x128xf32, #tpu.memory_space<hbm>>)
      %mul3A_768 = arith.constant 10 : i32
      %mul3A_769 = arith.muli %scan3A_306, %mul3A_768 : i32
      %add3A_770 = arith.constant 8 : i32
      %add3A_771 = arith.addi %mul3A_769, %add3A_770 : i32
      %jit3A_772 = arith.constant 2 : i32
      %div3A_773 = arith.divsi %add3A_771, %jit3A_772 : i32
      %sign3A_774 = arith.constant 0 : i32
      %sign3A_775 = arith.cmpi sgt, %add3A_771, %sign3A_774 : i32
      %sign3A_776 = arith.extui %sign3A_775 : i1 to i32
      %sign3A_777 = arith.constant 0 : i32
      %sign3A_778 = arith.cmpi slt, %add3A_771, %sign3A_777 : i32
      %sign3A_779 = arith.extui %sign3A_778 : i1 to i32
      %sign3A_780 = arith.subi %sign3A_776, %sign3A_779 : i32
      %sign3A_781 = arith.constant 0 : i32
      %sign3A_782 = arith.cmpi sgt, %jit3A_772, %sign3A_781 : i32
      %sign3A_783 = arith.extui %sign3A_782 : i1 to i32
      %sign3A_784 = arith.constant 0 : i32
      %sign3A_785 = arith.cmpi slt, %jit3A_772, %sign3A_784 : i32
      %sign3A_786 = arith.extui %sign3A_785 : i1 to i32
      %sign3A_787 = arith.subi %sign3A_783, %sign3A_786 : i32
      %ne3A_788 = arith.cmpi ne, %sign3A_780, %sign3A_787 : i32
      %rem3A_789 = arith.remsi %add3A_771, %jit3A_772 : i32
      %ne3A_790 = arith.constant 0 : i32
      %ne3A_791 = arith.cmpi ne, %rem3A_789, %ne3A_790 : i32
      %and3A_792 = arith.andi %ne3A_788, %ne3A_791 : i1
      %sub3A_793 = arith.constant 1 : i32
      %sub3A_794 = arith.subi %div3A_773, %sub3A_793 : i32
      %select_n3A_795 = arith.select %and3A_792, %sub3A_794, %div3A_773 : i32
      %jit3A_796 = arith.constant 2 : i32
      %eq3A_797 = arith.constant 0 : i32
      %eq3A_798 = arith.cmpi eq, %jit3A_796, %eq3A_797 : i32
      %jit3A_799 = arith.constant 1 : i32
      %select_n3A_800 = arith.select %eq3A_798, %jit3A_799, %jit3A_796 : i32
      %rem3A_801 = arith.remsi %add3A_771, %select_n3A_800 : i32
      %ne3A_802 = arith.constant 0 : i32
      %ne3A_803 = arith.cmpi ne, %rem3A_801, %ne3A_802 : i32
      %lt3A_804 = arith.constant 0 : i32
      %lt3A_805 = arith.cmpi slt, %rem3A_801, %lt3A_804 : i32
      %lt3A_806 = arith.constant 0 : i32
      %lt3A_807 = arith.cmpi slt, %select_n3A_800, %lt3A_806 : i32
      %ne3A_808 = arith.xori %lt3A_805, %lt3A_807 : i1
      %and3A_809 = arith.andi %ne3A_808, %ne3A_803 : i1
      %add3A_810 = arith.addi %rem3A_801, %select_n3A_800 : i32
      %select_n3A_811 = arith.select %and3A_809, %add3A_810, %rem3A_801 : i32
      %mul3A_812 = arith.constant 64 : i32
      %mul3A_813 = arith.muli %select_n3A_811, %mul3A_812 : i32
      %dma_start3A_814 = tpu.memref_slice %arg5[%select_n3A_795, %mul3A_813] : memref<50x128xi32, #tpu.memory_space<vmem>> -> memref<1x64xi32, #tpu.memory_space<vmem>>
      %dma_start3A_815 = tpu.memref_squeeze %dma_start3A_814 : memref<1x64xi32, #tpu.memory_space<vmem>> -> memref<64xi32, #tpu.memory_space<vmem>>
      %dma_start3A_816 = arith.constant 0 : i32
      %dma_start3A_817 = arith.constant 0 : i32
      %dma_start3A_818 = tpu.memref_slice %arg3[%dma_start3A_816, %dma_start3A_817] : memref<100000x128xf32, #tpu.memory_space<hbm>> -> memref<100000x128xf32, #tpu.memory_space<hbm>>
      tpu.enqueue_indirect_dma source(%dma_start3A_818 : memref<100000x128xf32, #tpu.memory_space<hbm>>) target(%arg14 : memref<64x128xf32, #tpu.memory_space<vmem>>) offsets(%dma_start3A_815 : memref<64xi32, #tpu.memory_space<vmem>>) semaphore(%arg24 : memref<!tpu.dma_semaphore, #tpu.memory_space<semaphore_mem>>)
      %dma_wait3A_819 = arith.constant 0 : i32
      %dma_wait3A_820 = arith.constant 0 : i32
      %dma_wait3A_821 = tpu.memref_slice %arg4[%dma_wait3A_819, %mul3A_2, %dma_wait3A_820] : memref<50x4096x128xf32, #tpu.memory_space<hbm>> -> memref<1x64x128xf32, #tpu.memory_space<hbm>>
      %dma_wait3A_822 = tpu.memref_squeeze %dma_wait3A_821 : memref<1x64x128xf32, #tpu.memory_space<hbm>> -> memref<64x128xf32, #tpu.memory_space<hbm>>
      %dma_wait3A_823 = arith.constant 0 : i32
      %dma_wait3A_824 = tpu.memref_slice %arg4[%dma_wait3A_819, %mul3A_2, %dma_wait3A_823] : memref<50x4096x128xf32, #tpu.memory_space<hbm>> -> memref<1x64x128xf32, #tpu.memory_space<hbm>>
      %dma_wait3A_825 = tpu.memref_squeeze %dma_wait3A_824 : memref<1x64x128xf32, #tpu.memory_space<hbm>> -> memref<64x128xf32, #tpu.memory_space<hbm>>
      tpu.wait_dma2 semaphore(%arg35 : memref<!tpu.dma_semaphore, #tpu.memory_space<semaphore_mem>>) src(%arg15 : memref<64x128xf32, #tpu.memory_space<vmem>>) dst(%dma_wait3A_825 : memref<64x128xf32, #tpu.memory_space<hbm>>)
      %mul3A_826 = arith.constant 10 : i32
      %mul3A_827 = arith.muli %scan3A_306, %mul3A_826 : i32
      %add3A_828 = arith.constant 9 : i32
      %add3A_829 = arith.addi %mul3A_827, %add3A_828 : i32
      %jit3A_830 = arith.constant 2 : i32
      %div3A_831 = arith.divsi %add3A_829, %jit3A_830 : i32
      %sign3A_832 = arith.constant 0 : i32
      %sign3A_833 = arith.cmpi sgt, %add3A_829, %sign3A_832 : i32
      %sign3A_834 = arith.extui %sign3A_833 : i1 to i32
      %sign3A_835 = arith.constant 0 : i32
      %sign3A_836 = arith.cmpi slt, %add3A_829, %sign3A_835 : i32
      %sign3A_837 = arith.extui %sign3A_836 : i1 to i32
      %sign3A_838 = arith.subi %sign3A_834, %sign3A_837 : i32
      %sign3A_839 = arith.constant 0 : i32
      %sign3A_840 = arith.cmpi sgt, %jit3A_830, %sign3A_839 : i32
      %sign3A_841 = arith.extui %sign3A_840 : i1 to i32
      %sign3A_842 = arith.constant 0 : i32
      %sign3A_843 = arith.cmpi slt, %jit3A_830, %sign3A_842 : i32
      %sign3A_844 = arith.extui %sign3A_843 : i1 to i32
      %sign3A_845 = arith.subi %sign3A_841, %sign3A_844 : i32
      %ne3A_846 = arith.cmpi ne, %sign3A_838, %sign3A_845 : i32
      %rem3A_847 = arith.remsi %add3A_829, %jit3A_830 : i32
      %ne3A_848 = arith.constant 0 : i32
      %ne3A_849 = arith.cmpi ne, %rem3A_847, %ne3A_848 : i32
      %and3A_850 = arith.andi %ne3A_846, %ne3A_849 : i1
      %sub3A_851 = arith.constant 1 : i32
      %sub3A_852 = arith.subi %div3A_831, %sub3A_851 : i32
      %select_n3A_853 = arith.select %and3A_850, %sub3A_852, %div3A_831 : i32
      %jit3A_854 = arith.constant 2 : i32
      %eq3A_855 = arith.constant 0 : i32
      %eq3A_856 = arith.cmpi eq, %jit3A_854, %eq3A_855 : i32
      %jit3A_857 = arith.constant 1 : i32
      %select_n3A_858 = arith.select %eq3A_856, %jit3A_857, %jit3A_854 : i32
      %rem3A_859 = arith.remsi %add3A_829, %select_n3A_858 : i32
      %ne3A_860 = arith.constant 0 : i32
      %ne3A_861 = arith.cmpi ne, %rem3A_859, %ne3A_860 : i32
      %lt3A_862 = arith.constant 0 : i32
      %lt3A_863 = arith.cmpi slt, %rem3A_859, %lt3A_862 : i32
      %lt3A_864 = arith.constant 0 : i32
      %lt3A_865 = arith.cmpi slt, %select_n3A_858, %lt3A_864 : i32
      %ne3A_866 = arith.xori %lt3A_863, %lt3A_865 : i1
      %and3A_867 = arith.andi %ne3A_866, %ne3A_861 : i1
      %add3A_868 = arith.addi %rem3A_859, %select_n3A_858 : i32
      %select_n3A_869 = arith.select %and3A_867, %add3A_868, %rem3A_859 : i32
      %mul3A_870 = arith.constant 64 : i32
      %mul3A_871 = arith.muli %select_n3A_869, %mul3A_870 : i32
      %dma_start3A_872 = tpu.memref_slice %arg5[%select_n3A_853, %mul3A_871] : memref<50x128xi32, #tpu.memory_space<vmem>> -> memref<1x64xi32, #tpu.memory_space<vmem>>
      %dma_start3A_873 = tpu.memref_squeeze %dma_start3A_872 : memref<1x64xi32, #tpu.memory_space<vmem>> -> memref<64xi32, #tpu.memory_space<vmem>>
      %dma_start3A_874 = arith.constant 0 : i32
      %dma_start3A_875 = arith.constant 0 : i32
      %dma_start3A_876 = tpu.memref_slice %arg3[%dma_start3A_874, %dma_start3A_875] : memref<100000x128xf32, #tpu.memory_space<hbm>> -> memref<100000x128xf32, #tpu.memory_space<hbm>>
      tpu.enqueue_indirect_dma source(%dma_start3A_876 : memref<100000x128xf32, #tpu.memory_space<hbm>>) target(%arg15 : memref<64x128xf32, #tpu.memory_space<vmem>>) offsets(%dma_start3A_873 : memref<64xi32, #tpu.memory_space<vmem>>) semaphore(%arg25 : memref<!tpu.dma_semaphore, #tpu.memory_space<semaphore_mem>>)
      %dma_wait3A_877 = tpu.memref_slice %arg5[%select_n3A, %mul3A_349] : memref<50x128xi32, #tpu.memory_space<vmem>> -> memref<1x64xi32, #tpu.memory_space<vmem>>
      %dma_wait3A_878 = tpu.memref_squeeze %dma_wait3A_877 : memref<1x64xi32, #tpu.memory_space<vmem>> -> memref<64xi32, #tpu.memory_space<vmem>>
      %dma_wait3A_879 = arith.constant 0 : i32
      %dma_wait3A_880 = arith.constant 0 : i32
      %dma_wait3A_881 = tpu.memref_slice %arg3[%dma_wait3A_879, %dma_wait3A_880] : memref<100000x128xf32, #tpu.memory_space<hbm>> -> memref<100000x128xf32, #tpu.memory_space<hbm>>
      tpu.wait_indirect_dma semaphore(%arg16 : memref<!tpu.dma_semaphore, #tpu.memory_space<semaphore_mem>>) src(%dma_wait3A_881 : memref<100000x128xf32, #tpu.memory_space<hbm>>) dst(%arg6 : memref<64x128xf32, #tpu.memory_space<vmem>>)
      %mul3A_882 = arith.constant 10 : i32
      %mul3A_883 = arith.muli %scan3A_306, %mul3A_882 : i32
      %add3A_884 = arith.constant 0 : i32
      %add3A_885 = arith.addi %mul3A_883, %add3A_884 : i32
      %jit3A_886 = arith.constant 2 : i32
      %div3A_887 = arith.divsi %add3A_885, %jit3A_886 : i32
      %sign3A_888 = arith.constant 0 : i32
      %sign3A_889 = arith.cmpi sgt, %add3A_885, %sign3A_888 : i32
      %sign3A_890 = arith.extui %sign3A_889 : i1 to i32
      %sign3A_891 = arith.constant 0 : i32
      %sign3A_892 = arith.cmpi slt, %add3A_885, %sign3A_891 : i32
      %sign3A_893 = arith.extui %sign3A_892 : i1 to i32
      %sign3A_894 = arith.subi %sign3A_890, %sign3A_893 : i32
      %sign3A_895 = arith.constant 0 : i32
      %sign3A_896 = arith.cmpi sgt, %jit3A_886, %sign3A_895 : i32
      %sign3A_897 = arith.extui %sign3A_896 : i1 to i32
      %sign3A_898 = arith.constant 0 : i32
      %sign3A_899 = arith.cmpi slt, %jit3A_886, %sign3A_898 : i32
      %sign3A_900 = arith.extui %sign3A_899 : i1 to i32
      %sign3A_901 = arith.subi %sign3A_897, %sign3A_900 : i32
      %ne3A_902 = arith.cmpi ne, %sign3A_894, %sign3A_901 : i32
      %rem3A_903 = arith.remsi %add3A_885, %jit3A_886 : i32
      %ne3A_904 = arith.constant 0 : i32
      %ne3A_905 = arith.cmpi ne, %rem3A_903, %ne3A_904 : i32
      %and3A_906 = arith.andi %ne3A_902, %ne3A_905 : i1
      %sub3A_907 = arith.constant 1 : i32
      %sub3A_908 = arith.subi %div3A_887, %sub3A_907 : i32
      %select_n3A_909 = arith.select %and3A_906, %sub3A_908, %div3A_887 : i32
      %jit3A_910 = arith.constant 2 : i32
      %eq3A_911 = arith.constant 0 : i32
      %eq3A_912 = arith.cmpi eq, %jit3A_910, %eq3A_911 : i32
      %jit3A_913 = arith.constant 1 : i32
      %select_n3A_914 = arith.select %eq3A_912, %jit3A_913, %jit3A_910 : i32
      %rem3A_915 = arith.remsi %add3A_885, %select_n3A_914 : i32
      %ne3A_916 = arith.constant 0 : i32
      %ne3A_917 = arith.cmpi ne, %rem3A_915, %ne3A_916 : i32
      %lt3A_918 = arith.constant 0 : i32
      %lt3A_919 = arith.cmpi slt, %rem3A_915, %lt3A_918 : i32
      %lt3A_920 = arith.constant 0 : i32
      %lt3A_921 = arith.cmpi slt, %select_n3A_914, %lt3A_920 : i32
      %ne3A_922 = arith.xori %lt3A_919, %lt3A_921 : i1
      %and3A_923 = arith.andi %ne3A_922, %ne3A_917 : i1
      %add3A_924 = arith.addi %rem3A_915, %select_n3A_914 : i32
      %select_n3A_925 = arith.select %and3A_923, %add3A_924, %rem3A_915 : i32
      %mul3A_926 = arith.constant 64 : i32
      %mul3A_927 = arith.muli %select_n3A_925, %mul3A_926 : i32
      %add3A_928 = arith.addi %mul3A_2, %mul3A_927 : i32
      %dma_start3A_929 = arith.constant 0 : i32
      %dma_start3A_930 = tpu.memref_slice %arg4[%select_n3A_909, %add3A_928, %dma_start3A_929] : memref<50x4096x128xf32, #tpu.memory_space<hbm>> -> memref<1x64x128xf32, #tpu.memory_space<hbm>>
      %dma_start3A_931 = tpu.memref_squeeze %dma_start3A_930 : memref<1x64x128xf32, #tpu.memory_space<hbm>> -> memref<64x128xf32, #tpu.memory_space<hbm>>
      %dma_start3A_932 = arith.constant 0 : i32
      %dma_start3A_933 = tpu.memref_slice %arg4[%select_n3A_909, %add3A_928, %dma_start3A_932] : memref<50x4096x128xf32, #tpu.memory_space<hbm>> -> memref<1x64x128xf32, #tpu.memory_space<hbm>>
      %dma_start3A_934 = tpu.memref_squeeze %dma_start3A_933 : memref<1x64x128xf32, #tpu.memory_space<hbm>> -> memref<64x128xf32, #tpu.memory_space<hbm>>
      tpu.enqueue_dma source(%arg6 : memref<64x128xf32, #tpu.memory_space<vmem>>) target(%dma_start3A_934 : memref<64x128xf32, #tpu.memory_space<hbm>>) target_semaphore(%arg26 : memref<!tpu.dma_semaphore, #tpu.memory_space<semaphore_mem>>)
      %dma_wait3A_935 = tpu.memref_slice %arg5[%select_n3A_389, %mul3A_407] : memref<50x128xi32, #tpu.memory_space<vmem>> -> memref<1x64xi32, #tpu.memory_space<vmem>>
      %dma_wait3A_936 = tpu.memref_squeeze %dma_wait3A_935 : memref<1x64xi32, #tpu.memory_space<vmem>> -> memref<64xi32, #tpu.memory_space<vmem>>
      %dma_wait3A_937 = arith.constant 0 : i32
      %dma_wait3A_938 = arith.constant 0 : i32
      %dma_wait3A_939 = tpu.memref_slice %arg3[%dma_wait3A_937, %dma_wait3A_938] : memref<100000x128xf32, #tpu.memory_space<hbm>> -> memref<100000x128xf32, #tpu.memory_space<hbm>>
      tpu.wait_indirect_dma semaphore(%arg17 : memref<!tpu.dma_semaphore, #tpu.memory_space<semaphore_mem>>) src(%dma_wait3A_939 : memref<100000x128xf32, #tpu.memory_space<hbm>>) dst(%arg7 : memref<64x128xf32, #tpu.memory_space<vmem>>)
      %mul3A_940 = arith.constant 10 : i32
      %mul3A_941 = arith.muli %scan3A_306, %mul3A_940 : i32
      %add3A_942 = arith.constant 1 : i32
      %add3A_943 = arith.addi %mul3A_941, %add3A_942 : i32
      %jit3A_944 = arith.constant 2 : i32
      %div3A_945 = arith.divsi %add3A_943, %jit3A_944 : i32
      %sign3A_946 = arith.constant 0 : i32
      %sign3A_947 = arith.cmpi sgt, %add3A_943, %sign3A_946 : i32
      %sign3A_948 = arith.extui %sign3A_947 : i1 to i32
      %sign3A_949 = arith.constant 0 : i32
      %sign3A_950 = arith.cmpi slt, %add3A_943, %sign3A_949 : i32
      %sign3A_951 = arith.extui %sign3A_950 : i1 to i32
      %sign3A_952 = arith.subi %sign3A_948, %sign3A_951 : i32
      %sign3A_953 = arith.constant 0 : i32
      %sign3A_954 = arith.cmpi sgt, %jit3A_944, %sign3A_953 : i32
      %sign3A_955 = arith.extui %sign3A_954 : i1 to i32
      %sign3A_956 = arith.constant 0 : i32
      %sign3A_957 = arith.cmpi slt, %jit3A_944, %sign3A_956 : i32
      %sign3A_958 = arith.extui %sign3A_957 : i1 to i32
      %sign3A_959 = arith.subi %sign3A_955, %sign3A_958 : i32
      %ne3A_960 = arith.cmpi ne, %sign3A_952, %sign3A_959 : i32
      %rem3A_961 = arith.remsi %add3A_943, %jit3A_944 : i32
      %ne3A_962 = arith.constant 0 : i32
      %ne3A_963 = arith.cmpi ne, %rem3A_961, %ne3A_962 : i32
      %and3A_964 = arith.andi %ne3A_960, %ne3A_963 : i1
      %sub3A_965 = arith.constant 1 : i32
      %sub3A_966 = arith.subi %div3A_945, %sub3A_965 : i32
      %select_n3A_967 = arith.select %and3A_964, %sub3A_966, %div3A_945 : i32
      %jit3A_968 = arith.constant 2 : i32
      %eq3A_969 = arith.constant 0 : i32
      %eq3A_970 = arith.cmpi eq, %jit3A_968, %eq3A_969 : i32
      %jit3A_971 = arith.constant 1 : i32
      %select_n3A_972 = arith.select %eq3A_970, %jit3A_971, %jit3A_968 : i32
      %rem3A_973 = arith.remsi %add3A_943, %select_n3A_972 : i32
      %ne3A_974 = arith.constant 0 : i32
      %ne3A_975 = arith.cmpi ne, %rem3A_973, %ne3A_974 : i32
      %lt3A_976 = arith.constant 0 : i32
      %lt3A_977 = arith.cmpi slt, %rem3A_973, %lt3A_976 : i32
      %lt3A_978 = arith.constant 0 : i32
      %lt3A_979 = arith.cmpi slt, %select_n3A_972, %lt3A_978 : i32
      %ne3A_980 = arith.xori %lt3A_977, %lt3A_979 : i1
      %and3A_981 = arith.andi %ne3A_980, %ne3A_975 : i1
      %add3A_982 = arith.addi %rem3A_973, %select_n3A_972 : i32
      %select_n3A_983 = arith.select %and3A_981, %add3A_982, %rem3A_973 : i32
      %mul3A_984 = arith.constant 64 : i32
      %mul3A_985 = arith.muli %select_n3A_983, %mul3A_984 : i32
      %add3A_986 = arith.addi %mul3A_2, %mul3A_985 : i32
      %dma_start3A_987 = arith.constant 0 : i32
      %dma_start3A_988 = tpu.memref_slice %arg4[%select_n3A_967, %add3A_986, %dma_start3A_987] : memref<50x4096x128xf32, #tpu.memory_space<hbm>> -> memref<1x64x128xf32, #tpu.memory_space<hbm>>
      %dma_start3A_989 = tpu.memref_squeeze %dma_start3A_988 : memref<1x64x128xf32, #tpu.memory_space<hbm>> -> memref<64x128xf32, #tpu.memory_space<hbm>>
      %dma_start3A_990 = arith.constant 0 : i32
      %dma_start3A_991 = tpu.memref_slice %arg4[%select_n3A_967, %add3A_986, %dma_start3A_990] : memref<50x4096x128xf32, #tpu.memory_space<hbm>> -> memref<1x64x128xf32, #tpu.memory_space<hbm>>
      %dma_start3A_992 = tpu.memref_squeeze %dma_start3A_991 : memref<1x64x128xf32, #tpu.memory_space<hbm>> -> memref<64x128xf32, #tpu.memory_space<hbm>>
      tpu.enqueue_dma source(%arg7 : memref<64x128xf32, #tpu.memory_space<vmem>>) target(%dma_start3A_992 : memref<64x128xf32, #tpu.memory_space<hbm>>) target_semaphore(%arg27 : memref<!tpu.dma_semaphore, #tpu.memory_space<semaphore_mem>>)
      %dma_wait3A_993 = tpu.memref_slice %arg5[%select_n3A_447, %mul3A_465] : memref<50x128xi32, #tpu.memory_space<vmem>> -> memref<1x64xi32, #tpu.memory_space<vmem>>
      %dma_wait3A_994 = tpu.memref_squeeze %dma_wait3A_993 : memref<1x64xi32, #tpu.memory_space<vmem>> -> memref<64xi32, #tpu.memory_space<vmem>>
      %dma_wait3A_995 = arith.constant 0 : i32
      %dma_wait3A_996 = arith.constant 0 : i32
      %dma_wait3A_997 = tpu.memref_slice %arg3[%dma_wait3A_995, %dma_wait3A_996] : memref<100000x128xf32, #tpu.memory_space<hbm>> -> memref<100000x128xf32, #tpu.memory_space<hbm>>
      tpu.wait_indirect_dma semaphore(%arg18 : memref<!tpu.dma_semaphore, #tpu.memory_space<semaphore_mem>>) src(%dma_wait3A_997 : memref<100000x128xf32, #tpu.memory_space<hbm>>) dst(%arg8 : memref<64x128xf32, #tpu.memory_space<vmem>>)
      %mul3A_998 = arith.constant 10 : i32
      %mul3A_999 = arith.muli %scan3A_306, %mul3A_998 : i32
      %add3A_1000 = arith.constant 2 : i32
      %add3A_1001 = arith.addi %mul3A_999, %add3A_1000 : i32
      %jit3A_1002 = arith.constant 2 : i32
      %div3A_1003 = arith.divsi %add3A_1001, %jit3A_1002 : i32
      %sign3A_1004 = arith.constant 0 : i32
      %sign3A_1005 = arith.cmpi sgt, %add3A_1001, %sign3A_1004 : i32
      %sign3A_1006 = arith.extui %sign3A_1005 : i1 to i32
      %sign3A_1007 = arith.constant 0 : i32
      %sign3A_1008 = arith.cmpi slt, %add3A_1001, %sign3A_1007 : i32
      %sign3A_1009 = arith.extui %sign3A_1008 : i1 to i32
      %sign3A_1010 = arith.subi %sign3A_1006, %sign3A_1009 : i32
      %sign3A_1011 = arith.constant 0 : i32
      %sign3A_1012 = arith.cmpi sgt, %jit3A_1002, %sign3A_1011 : i32
      %sign3A_1013 = arith.extui %sign3A_1012 : i1 to i32
      %sign3A_1014 = arith.constant 0 : i32
      %sign3A_1015 = arith.cmpi slt, %jit3A_1002, %sign3A_1014 : i32
      %sign3A_1016 = arith.extui %sign3A_1015 : i1 to i32
      %sign3A_1017 = arith.subi %sign3A_1013, %sign3A_1016 : i32
      %ne3A_1018 = arith.cmpi ne, %sign3A_1010, %sign3A_1017 : i32
      %rem3A_1019 = arith.remsi %add3A_1001, %jit3A_1002 : i32
      %ne3A_1020 = arith.constant 0 : i32
      %ne3A_1021 = arith.cmpi ne, %rem3A_1019, %ne3A_1020 : i32
      %and3A_1022 = arith.andi %ne3A_1018, %ne3A_1021 : i1
      %sub3A_1023 = arith.constant 1 : i32
      %sub3A_1024 = arith.subi %div3A_1003, %sub3A_1023 : i32
      %select_n3A_1025 = arith.select %and3A_1022, %sub3A_1024, %div3A_1003 : i32
      %jit3A_1026 = arith.constant 2 : i32
      %eq3A_1027 = arith.constant 0 : i32
      %eq3A_1028 = arith.cmpi eq, %jit3A_1026, %eq3A_1027 : i32
      %jit3A_1029 = arith.constant 1 : i32
      %select_n3A_1030 = arith.select %eq3A_1028, %jit3A_1029, %jit3A_1026 : i32
      %rem3A_1031 = arith.remsi %add3A_1001, %select_n3A_1030 : i32
      %ne3A_1032 = arith.constant 0 : i32
      %ne3A_1033 = arith.cmpi ne, %rem3A_1031, %ne3A_1032 : i32
      %lt3A_1034 = arith.constant 0 : i32
      %lt3A_1035 = arith.cmpi slt, %rem3A_1031, %lt3A_1034 : i32
      %lt3A_1036 = arith.constant 0 : i32
      %lt3A_1037 = arith.cmpi slt, %select_n3A_1030, %lt3A_1036 : i32
      %ne3A_1038 = arith.xori %lt3A_1035, %lt3A_1037 : i1
      %and3A_1039 = arith.andi %ne3A_1038, %ne3A_1033 : i1
      %add3A_1040 = arith.addi %rem3A_1031, %select_n3A_1030 : i32
      %select_n3A_1041 = arith.select %and3A_1039, %add3A_1040, %rem3A_1031 : i32
      %mul3A_1042 = arith.constant 64 : i32
      %mul3A_1043 = arith.muli %select_n3A_1041, %mul3A_1042 : i32
      %add3A_1044 = arith.addi %mul3A_2, %mul3A_1043 : i32
      %dma_start3A_1045 = arith.constant 0 : i32
      %dma_start3A_1046 = tpu.memref_slice %arg4[%select_n3A_1025, %add3A_1044, %dma_start3A_1045] : memref<50x4096x128xf32, #tpu.memory_space<hbm>> -> memref<1x64x128xf32, #tpu.memory_space<hbm>>
      %dma_start3A_1047 = tpu.memref_squeeze %dma_start3A_1046 : memref<1x64x128xf32, #tpu.memory_space<hbm>> -> memref<64x128xf32, #tpu.memory_space<hbm>>
      %dma_start3A_1048 = arith.constant 0 : i32
      %dma_start3A_1049 = tpu.memref_slice %arg4[%select_n3A_1025, %add3A_1044, %dma_start3A_1048] : memref<50x4096x128xf32, #tpu.memory_space<hbm>> -> memref<1x64x128xf32, #tpu.memory_space<hbm>>
      %dma_start3A_1050 = tpu.memref_squeeze %dma_start3A_1049 : memref<1x64x128xf32, #tpu.memory_space<hbm>> -> memref<64x128xf32, #tpu.memory_space<hbm>>
      tpu.enqueue_dma source(%arg8 : memref<64x128xf32, #tpu.memory_space<vmem>>) target(%dma_start3A_1050 : memref<64x128xf32, #tpu.memory_space<hbm>>) target_semaphore(%arg28 : memref<!tpu.dma_semaphore, #tpu.memory_space<semaphore_mem>>)
      %dma_wait3A_1051 = tpu.memref_slice %arg5[%select_n3A_505, %mul3A_523] : memref<50x128xi32, #tpu.memory_space<vmem>> -> memref<1x64xi32, #tpu.memory_space<vmem>>
      %dma_wait3A_1052 = tpu.memref_squeeze %dma_wait3A_1051 : memref<1x64xi32, #tpu.memory_space<vmem>> -> memref<64xi32, #tpu.memory_space<vmem>>
      %dma_wait3A_1053 = arith.constant 0 : i32
      %dma_wait3A_1054 = arith.constant 0 : i32
      %dma_wait3A_1055 = tpu.memref_slice %arg3[%dma_wait3A_1053, %dma_wait3A_1054] : memref<100000x128xf32, #tpu.memory_space<hbm>> -> memref<100000x128xf32, #tpu.memory_space<hbm>>
      tpu.wait_indirect_dma semaphore(%arg19 : memref<!tpu.dma_semaphore, #tpu.memory_space<semaphore_mem>>) src(%dma_wait3A_1055 : memref<100000x128xf32, #tpu.memory_space<hbm>>) dst(%arg9 : memref<64x128xf32, #tpu.memory_space<vmem>>)
      %mul3A_1056 = arith.constant 10 : i32
      %mul3A_1057 = arith.muli %scan3A_306, %mul3A_1056 : i32
      %add3A_1058 = arith.constant 3 : i32
      %add3A_1059 = arith.addi %mul3A_1057, %add3A_1058 : i32
      %jit3A_1060 = arith.constant 2 : i32
      %div3A_1061 = arith.divsi %add3A_1059, %jit3A_1060 : i32
      %sign3A_1062 = arith.constant 0 : i32
      %sign3A_1063 = arith.cmpi sgt, %add3A_1059, %sign3A_1062 : i32
      %sign3A_1064 = arith.extui %sign3A_1063 : i1 to i32
      %sign3A_1065 = arith.constant 0 : i32
      %sign3A_1066 = arith.cmpi slt, %add3A_1059, %sign3A_1065 : i32
      %sign3A_1067 = arith.extui %sign3A_1066 : i1 to i32
      %sign3A_1068 = arith.subi %sign3A_1064, %sign3A_1067 : i32
      %sign3A_1069 = arith.constant 0 : i32
      %sign3A_1070 = arith.cmpi sgt, %jit3A_1060, %sign3A_1069 : i32
      %sign3A_1071 = arith.extui %sign3A_1070 : i1 to i32
      %sign3A_1072 = arith.constant 0 : i32
      %sign3A_1073 = arith.cmpi slt, %jit3A_1060, %sign3A_1072 : i32
      %sign3A_1074 = arith.extui %sign3A_1073 : i1 to i32
      %sign3A_1075 = arith.subi %sign3A_1071, %sign3A_1074 : i32
      %ne3A_1076 = arith.cmpi ne, %sign3A_1068, %sign3A_1075 : i32
      %rem3A_1077 = arith.remsi %add3A_1059, %jit3A_1060 : i32
      %ne3A_1078 = arith.constant 0 : i32
      %ne3A_1079 = arith.cmpi ne, %rem3A_1077, %ne3A_1078 : i32
      %and3A_1080 = arith.andi %ne3A_1076, %ne3A_1079 : i1
      %sub3A_1081 = arith.constant 1 : i32
      %sub3A_1082 = arith.subi %div3A_1061, %sub3A_1081 : i32
      %select_n3A_1083 = arith.select %and3A_1080, %sub3A_1082, %div3A_1061 : i32
      %jit3A_1084 = arith.constant 2 : i32
      %eq3A_1085 = arith.constant 0 : i32
      %eq3A_1086 = arith.cmpi eq, %jit3A_1084, %eq3A_1085 : i32
      %jit3A_1087 = arith.constant 1 : i32
      %select_n3A_1088 = arith.select %eq3A_1086, %jit3A_1087, %jit3A_1084 : i32
      %rem3A_1089 = arith.remsi %add3A_1059, %select_n3A_1088 : i32
      %ne3A_1090 = arith.constant 0 : i32
      %ne3A_1091 = arith.cmpi ne, %rem3A_1089, %ne3A_1090 : i32
      %lt3A_1092 = arith.constant 0 : i32
      %lt3A_1093 = arith.cmpi slt, %rem3A_1089, %lt3A_1092 : i32
      %lt3A_1094 = arith.constant 0 : i32
      %lt3A_1095 = arith.cmpi slt, %select_n3A_1088, %lt3A_1094 : i32
      %ne3A_1096 = arith.xori %lt3A_1093, %lt3A_1095 : i1
      %and3A_1097 = arith.andi %ne3A_1096, %ne3A_1091 : i1
      %add3A_1098 = arith.addi %rem3A_1089, %select_n3A_1088 : i32
      %select_n3A_1099 = arith.select %and3A_1097, %add3A_1098, %rem3A_1089 : i32
      %mul3A_1100 = arith.constant 64 : i32
      %mul3A_1101 = arith.muli %select_n3A_1099, %mul3A_1100 : i32
      %add3A_1102 = arith.addi %mul3A_2, %mul3A_1101 : i32
      %dma_start3A_1103 = arith.constant 0 : i32
      %dma_start3A_1104 = tpu.memref_slice %arg4[%select_n3A_1083, %add3A_1102, %dma_start3A_1103] : memref<50x4096x128xf32, #tpu.memory_space<hbm>> -> memref<1x64x128xf32, #tpu.memory_space<hbm>>
      %dma_start3A_1105 = tpu.memref_squeeze %dma_start3A_1104 : memref<1x64x128xf32, #tpu.memory_space<hbm>> -> memref<64x128xf32, #tpu.memory_space<hbm>>
      %dma_start3A_1106 = arith.constant 0 : i32
      %dma_start3A_1107 = tpu.memref_slice %arg4[%select_n3A_1083, %add3A_1102, %dma_start3A_1106] : memref<50x4096x128xf32, #tpu.memory_space<hbm>> -> memref<1x64x128xf32, #tpu.memory_space<hbm>>
      %dma_start3A_1108 = tpu.memref_squeeze %dma_start3A_1107 : memref<1x64x128xf32, #tpu.memory_space<hbm>> -> memref<64x128xf32, #tpu.memory_space<hbm>>
      tpu.enqueue_dma source(%arg9 : memref<64x128xf32, #tpu.memory_space<vmem>>) target(%dma_start3A_1108 : memref<64x128xf32, #tpu.memory_space<hbm>>) target_semaphore(%arg29 : memref<!tpu.dma_semaphore, #tpu.memory_space<semaphore_mem>>)
      %dma_wait3A_1109 = tpu.memref_slice %arg5[%select_n3A_563, %mul3A_581] : memref<50x128xi32, #tpu.memory_space<vmem>> -> memref<1x64xi32, #tpu.memory_space<vmem>>
      %dma_wait3A_1110 = tpu.memref_squeeze %dma_wait3A_1109 : memref<1x64xi32, #tpu.memory_space<vmem>> -> memref<64xi32, #tpu.memory_space<vmem>>
      %dma_wait3A_1111 = arith.constant 0 : i32
      %dma_wait3A_1112 = arith.constant 0 : i32
      %dma_wait3A_1113 = tpu.memref_slice %arg3[%dma_wait3A_1111, %dma_wait3A_1112] : memref<100000x128xf32, #tpu.memory_space<hbm>> -> memref<100000x128xf32, #tpu.memory_space<hbm>>
      tpu.wait_indirect_dma semaphore(%arg20 : memref<!tpu.dma_semaphore, #tpu.memory_space<semaphore_mem>>) src(%dma_wait3A_1113 : memref<100000x128xf32, #tpu.memory_space<hbm>>) dst(%arg10 : memref<64x128xf32, #tpu.memory_space<vmem>>)
      %mul3A_1114 = arith.constant 10 : i32
      %mul3A_1115 = arith.muli %scan3A_306, %mul3A_1114 : i32
      %add3A_1116 = arith.constant 4 : i32
      %add3A_1117 = arith.addi %mul3A_1115, %add3A_1116 : i32
      %jit3A_1118 = arith.constant 2 : i32
      %div3A_1119 = arith.divsi %add3A_1117, %jit3A_1118 : i32
      %sign3A_1120 = arith.constant 0 : i32
      %sign3A_1121 = arith.cmpi sgt, %add3A_1117, %sign3A_1120 : i32
      %sign3A_1122 = arith.extui %sign3A_1121 : i1 to i32
      %sign3A_1123 = arith.constant 0 : i32
      %sign3A_1124 = arith.cmpi slt, %add3A_1117, %sign3A_1123 : i32
      %sign3A_1125 = arith.extui %sign3A_1124 : i1 to i32
      %sign3A_1126 = arith.subi %sign3A_1122, %sign3A_1125 : i32
      %sign3A_1127 = arith.constant 0 : i32
      %sign3A_1128 = arith.cmpi sgt, %jit3A_1118, %sign3A_1127 : i32
      %sign3A_1129 = arith.extui %sign3A_1128 : i1 to i32
      %sign3A_1130 = arith.constant 0 : i32
      %sign3A_1131 = arith.cmpi slt, %jit3A_1118, %sign3A_1130 : i32
      %sign3A_1132 = arith.extui %sign3A_1131 : i1 to i32
      %sign3A_1133 = arith.subi %sign3A_1129, %sign3A_1132 : i32
      %ne3A_1134 = arith.cmpi ne, %sign3A_1126, %sign3A_1133 : i32
      %rem3A_1135 = arith.remsi %add3A_1117, %jit3A_1118 : i32
      %ne3A_1136 = arith.constant 0 : i32
      %ne3A_1137 = arith.cmpi ne, %rem3A_1135, %ne3A_1136 : i32
      %and3A_1138 = arith.andi %ne3A_1134, %ne3A_1137 : i1
      %sub3A_1139 = arith.constant 1 : i32
      %sub3A_1140 = arith.subi %div3A_1119, %sub3A_1139 : i32
      %select_n3A_1141 = arith.select %and3A_1138, %sub3A_1140, %div3A_1119 : i32
      %jit3A_1142 = arith.constant 2 : i32
      %eq3A_1143 = arith.constant 0 : i32
      %eq3A_1144 = arith.cmpi eq, %jit3A_1142, %eq3A_1143 : i32
      %jit3A_1145 = arith.constant 1 : i32
      %select_n3A_1146 = arith.select %eq3A_1144, %jit3A_1145, %jit3A_1142 : i32
      %rem3A_1147 = arith.remsi %add3A_1117, %select_n3A_1146 : i32
      %ne3A_1148 = arith.constant 0 : i32
      %ne3A_1149 = arith.cmpi ne, %rem3A_1147, %ne3A_1148 : i32
      %lt3A_1150 = arith.constant 0 : i32
      %lt3A_1151 = arith.cmpi slt, %rem3A_1147, %lt3A_1150 : i32
      %lt3A_1152 = arith.constant 0 : i32
      %lt3A_1153 = arith.cmpi slt, %select_n3A_1146, %lt3A_1152 : i32
      %ne3A_1154 = arith.xori %lt3A_1151, %lt3A_1153 : i1
      %and3A_1155 = arith.andi %ne3A_1154, %ne3A_1149 : i1
      %add3A_1156 = arith.addi %rem3A_1147, %select_n3A_1146 : i32
      %select_n3A_1157 = arith.select %and3A_1155, %add3A_1156, %rem3A_1147 : i32
      %mul3A_1158 = arith.constant 64 : i32
      %mul3A_1159 = arith.muli %select_n3A_1157, %mul3A_1158 : i32
      %add3A_1160 = arith.addi %mul3A_2, %mul3A_1159 : i32
      %dma_start3A_1161 = arith.constant 0 : i32
      %dma_start3A_1162 = tpu.memref_slice %arg4[%select_n3A_1141, %add3A_1160, %dma_start3A_1161] : memref<50x4096x128xf32, #tpu.memory_space<hbm>> -> memref<1x64x128xf32, #tpu.memory_space<hbm>>
      %dma_start3A_1163 = tpu.memref_squeeze %dma_start3A_1162 : memref<1x64x128xf32, #tpu.memory_space<hbm>> -> memref<64x128xf32, #tpu.memory_space<hbm>>
      %dma_start3A_1164 = arith.constant 0 : i32
      %dma_start3A_1165 = tpu.memref_slice %arg4[%select_n3A_1141, %add3A_1160, %dma_start3A_1164] : memref<50x4096x128xf32, #tpu.memory_space<hbm>> -> memref<1x64x128xf32, #tpu.memory_space<hbm>>
      %dma_start3A_1166 = tpu.memref_squeeze %dma_start3A_1165 : memref<1x64x128xf32, #tpu.memory_space<hbm>> -> memref<64x128xf32, #tpu.memory_space<hbm>>
      tpu.enqueue_dma source(%arg10 : memref<64x128xf32, #tpu.memory_space<vmem>>) target(%dma_start3A_1166 : memref<64x128xf32, #tpu.memory_space<hbm>>) target_semaphore(%arg30 : memref<!tpu.dma_semaphore, #tpu.memory_space<semaphore_mem>>)
      %dma_wait3A_1167 = tpu.memref_slice %arg5[%select_n3A_621, %mul3A_639] : memref<50x128xi32, #tpu.memory_space<vmem>> -> memref<1x64xi32, #tpu.memory_space<vmem>>
      %dma_wait3A_1168 = tpu.memref_squeeze %dma_wait3A_1167 : memref<1x64xi32, #tpu.memory_space<vmem>> -> memref<64xi32, #tpu.memory_space<vmem>>
      %dma_wait3A_1169 = arith.constant 0 : i32
      %dma_wait3A_1170 = arith.constant 0 : i32
      %dma_wait3A_1171 = tpu.memref_slice %arg3[%dma_wait3A_1169, %dma_wait3A_1170] : memref<100000x128xf32, #tpu.memory_space<hbm>> -> memref<100000x128xf32, #tpu.memory_space<hbm>>
      tpu.wait_indirect_dma semaphore(%arg21 : memref<!tpu.dma_semaphore, #tpu.memory_space<semaphore_mem>>) src(%dma_wait3A_1171 : memref<100000x128xf32, #tpu.memory_space<hbm>>) dst(%arg11 : memref<64x128xf32, #tpu.memory_space<vmem>>)
      %mul3A_1172 = arith.constant 10 : i32
      %mul3A_1173 = arith.muli %scan3A_306, %mul3A_1172 : i32
      %add3A_1174 = arith.constant 5 : i32
      %add3A_1175 = arith.addi %mul3A_1173, %add3A_1174 : i32
      %jit3A_1176 = arith.constant 2 : i32
      %div3A_1177 = arith.divsi %add3A_1175, %jit3A_1176 : i32
      %sign3A_1178 = arith.constant 0 : i32
      %sign3A_1179 = arith.cmpi sgt, %add3A_1175, %sign3A_1178 : i32
      %sign3A_1180 = arith.extui %sign3A_1179 : i1 to i32
      %sign3A_1181 = arith.constant 0 : i32
      %sign3A_1182 = arith.cmpi slt, %add3A_1175, %sign3A_1181 : i32
      %sign3A_1183 = arith.extui %sign3A_1182 : i1 to i32
      %sign3A_1184 = arith.subi %sign3A_1180, %sign3A_1183 : i32
      %sign3A_1185 = arith.constant 0 : i32
      %sign3A_1186 = arith.cmpi sgt, %jit3A_1176, %sign3A_1185 : i32
      %sign3A_1187 = arith.extui %sign3A_1186 : i1 to i32
      %sign3A_1188 = arith.constant 0 : i32
      %sign3A_1189 = arith.cmpi slt, %jit3A_1176, %sign3A_1188 : i32
      %sign3A_1190 = arith.extui %sign3A_1189 : i1 to i32
      %sign3A_1191 = arith.subi %sign3A_1187, %sign3A_1190 : i32
      %ne3A_1192 = arith.cmpi ne, %sign3A_1184, %sign3A_1191 : i32
      %rem3A_1193 = arith.remsi %add3A_1175, %jit3A_1176 : i32
      %ne3A_1194 = arith.constant 0 : i32
      %ne3A_1195 = arith.cmpi ne, %rem3A_1193, %ne3A_1194 : i32
      %and3A_1196 = arith.andi %ne3A_1192, %ne3A_1195 : i1
      %sub3A_1197 = arith.constant 1 : i32
      %sub3A_1198 = arith.subi %div3A_1177, %sub3A_1197 : i32
      %select_n3A_1199 = arith.select %and3A_1196, %sub3A_1198, %div3A_1177 : i32
      %jit3A_1200 = arith.constant 2 : i32
      %eq3A_1201 = arith.constant 0 : i32
      %eq3A_1202 = arith.cmpi eq, %jit3A_1200, %eq3A_1201 : i32
      %jit3A_1203 = arith.constant 1 : i32
      %select_n3A_1204 = arith.select %eq3A_1202, %jit3A_1203, %jit3A_1200 : i32
      %rem3A_1205 = arith.remsi %add3A_1175, %select_n3A_1204 : i32
      %ne3A_1206 = arith.constant 0 : i32
      %ne3A_1207 = arith.cmpi ne, %rem3A_1205, %ne3A_1206 : i32
      %lt3A_1208 = arith.constant 0 : i32
      %lt3A_1209 = arith.cmpi slt, %rem3A_1205, %lt3A_1208 : i32
      %lt3A_1210 = arith.constant 0 : i32
      %lt3A_1211 = arith.cmpi slt, %select_n3A_1204, %lt3A_1210 : i32
      %ne3A_1212 = arith.xori %lt3A_1209, %lt3A_1211 : i1
      %and3A_1213 = arith.andi %ne3A_1212, %ne3A_1207 : i1
      %add3A_1214 = arith.addi %rem3A_1205, %select_n3A_1204 : i32
      %select_n3A_1215 = arith.select %and3A_1213, %add3A_1214, %rem3A_1205 : i32
      %mul3A_1216 = arith.constant 64 : i32
      %mul3A_1217 = arith.muli %select_n3A_1215, %mul3A_1216 : i32
      %add3A_1218 = arith.addi %mul3A_2, %mul3A_1217 : i32
      %dma_start3A_1219 = arith.constant 0 : i32
      %dma_start3A_1220 = tpu.memref_slice %arg4[%select_n3A_1199, %add3A_1218, %dma_start3A_1219] : memref<50x4096x128xf32, #tpu.memory_space<hbm>> -> memref<1x64x128xf32, #tpu.memory_space<hbm>>
      %dma_start3A_1221 = tpu.memref_squeeze %dma_start3A_1220 : memref<1x64x128xf32, #tpu.memory_space<hbm>> -> memref<64x128xf32, #tpu.memory_space<hbm>>
      %dma_start3A_1222 = arith.constant 0 : i32
      %dma_start3A_1223 = tpu.memref_slice %arg4[%select_n3A_1199, %add3A_1218, %dma_start3A_1222] : memref<50x4096x128xf32, #tpu.memory_space<hbm>> -> memref<1x64x128xf32, #tpu.memory_space<hbm>>
      %dma_start3A_1224 = tpu.memref_squeeze %dma_start3A_1223 : memref<1x64x128xf32, #tpu.memory_space<hbm>> -> memref<64x128xf32, #tpu.memory_space<hbm>>
      tpu.enqueue_dma source(%arg11 : memref<64x128xf32, #tpu.memory_space<vmem>>) target(%dma_start3A_1224 : memref<64x128xf32, #tpu.memory_space<hbm>>) target_semaphore(%arg31 : memref<!tpu.dma_semaphore, #tpu.memory_space<semaphore_mem>>)
      %dma_wait3A_1225 = tpu.memref_slice %arg5[%select_n3A_679, %mul3A_697] : memref<50x128xi32, #tpu.memory_space<vmem>> -> memref<1x64xi32, #tpu.memory_space<vmem>>
      %dma_wait3A_1226 = tpu.memref_squeeze %dma_wait3A_1225 : memref<1x64xi32, #tpu.memory_space<vmem>> -> memref<64xi32, #tpu.memory_space<vmem>>
      %dma_wait3A_1227 = arith.constant 0 : i32
      %dma_wait3A_1228 = arith.constant 0 : i32
      %dma_wait3A_1229 = tpu.memref_slice %arg3[%dma_wait3A_1227, %dma_wait3A_1228] : memref<100000x128xf32, #tpu.memory_space<hbm>> -> memref<100000x128xf32, #tpu.memory_space<hbm>>
      tpu.wait_indirect_dma semaphore(%arg22 : memref<!tpu.dma_semaphore, #tpu.memory_space<semaphore_mem>>) src(%dma_wait3A_1229 : memref<100000x128xf32, #tpu.memory_space<hbm>>) dst(%arg12 : memref<64x128xf32, #tpu.memory_space<vmem>>)
      %mul3A_1230 = arith.constant 10 : i32
      %mul3A_1231 = arith.muli %scan3A_306, %mul3A_1230 : i32
      %add3A_1232 = arith.constant 6 : i32
      %add3A_1233 = arith.addi %mul3A_1231, %add3A_1232 : i32
      %jit3A_1234 = arith.constant 2 : i32
      %div3A_1235 = arith.divsi %add3A_1233, %jit3A_1234 : i32
      %sign3A_1236 = arith.constant 0 : i32
      %sign3A_1237 = arith.cmpi sgt, %add3A_1233, %sign3A_1236 : i32
      %sign3A_1238 = arith.extui %sign3A_1237 : i1 to i32
      %sign3A_1239 = arith.constant 0 : i32
      %sign3A_1240 = arith.cmpi slt, %add3A_1233, %sign3A_1239 : i32
      %sign3A_1241 = arith.extui %sign3A_1240 : i1 to i32
      %sign3A_1242 = arith.subi %sign3A_1238, %sign3A_1241 : i32
      %sign3A_1243 = arith.constant 0 : i32
      %sign3A_1244 = arith.cmpi sgt, %jit3A_1234, %sign3A_1243 : i32
      %sign3A_1245 = arith.extui %sign3A_1244 : i1 to i32
      %sign3A_1246 = arith.constant 0 : i32
      %sign3A_1247 = arith.cmpi slt, %jit3A_1234, %sign3A_1246 : i32
      %sign3A_1248 = arith.extui %sign3A_1247 : i1 to i32
      %sign3A_1249 = arith.subi %sign3A_1245, %sign3A_1248 : i32
      %ne3A_1250 = arith.cmpi ne, %sign3A_1242, %sign3A_1249 : i32
      %rem3A_1251 = arith.remsi %add3A_1233, %jit3A_1234 : i32
      %ne3A_1252 = arith.constant 0 : i32
      %ne3A_1253 = arith.cmpi ne, %rem3A_1251, %ne3A_1252 : i32
      %and3A_1254 = arith.andi %ne3A_1250, %ne3A_1253 : i1
      %sub3A_1255 = arith.constant 1 : i32
      %sub3A_1256 = arith.subi %div3A_1235, %sub3A_1255 : i32
      %select_n3A_1257 = arith.select %and3A_1254, %sub3A_1256, %div3A_1235 : i32
      %jit3A_1258 = arith.constant 2 : i32
      %eq3A_1259 = arith.constant 0 : i32
      %eq3A_1260 = arith.cmpi eq, %jit3A_1258, %eq3A_1259 : i32
      %jit3A_1261 = arith.constant 1 : i32
      %select_n3A_1262 = arith.select %eq3A_1260, %jit3A_1261, %jit3A_1258 : i32
      %rem3A_1263 = arith.remsi %add3A_1233, %select_n3A_1262 : i32
      %ne3A_1264 = arith.constant 0 : i32
      %ne3A_1265 = arith.cmpi ne, %rem3A_1263, %ne3A_1264 : i32
      %lt3A_1266 = arith.constant 0 : i32
      %lt3A_1267 = arith.cmpi slt, %rem3A_1263, %lt3A_1266 : i32
      %lt3A_1268 = arith.constant 0 : i32
      %lt3A_1269 = arith.cmpi slt, %select_n3A_1262, %lt3A_1268 : i32
      %ne3A_1270 = arith.xori %lt3A_1267, %lt3A_1269 : i1
      %and3A_1271 = arith.andi %ne3A_1270, %ne3A_1265 : i1
      %add3A_1272 = arith.addi %rem3A_1263, %select_n3A_1262 : i32
      %select_n3A_1273 = arith.select %and3A_1271, %add3A_1272, %rem3A_1263 : i32
      %mul3A_1274 = arith.constant 64 : i32
      %mul3A_1275 = arith.muli %select_n3A_1273, %mul3A_1274 : i32
      %add3A_1276 = arith.addi %mul3A_2, %mul3A_1275 : i32
      %dma_start3A_1277 = arith.constant 0 : i32
      %dma_start3A_1278 = tpu.memref_slice %arg4[%select_n3A_1257, %add3A_1276, %dma_start3A_1277] : memref<50x4096x128xf32, #tpu.memory_space<hbm>> -> memref<1x64x128xf32, #tpu.memory_space<hbm>>
      %dma_start3A_1279 = tpu.memref_squeeze %dma_start3A_1278 : memref<1x64x128xf32, #tpu.memory_space<hbm>> -> memref<64x128xf32, #tpu.memory_space<hbm>>
      %dma_start3A_1280 = arith.constant 0 : i32
      %dma_start3A_1281 = tpu.memref_slice %arg4[%select_n3A_1257, %add3A_1276, %dma_start3A_1280] : memref<50x4096x128xf32, #tpu.memory_space<hbm>> -> memref<1x64x128xf32, #tpu.memory_space<hbm>>
      %dma_start3A_1282 = tpu.memref_squeeze %dma_start3A_1281 : memref<1x64x128xf32, #tpu.memory_space<hbm>> -> memref<64x128xf32, #tpu.memory_space<hbm>>
      tpu.enqueue_dma source(%arg12 : memref<64x128xf32, #tpu.memory_space<vmem>>) target(%dma_start3A_1282 : memref<64x128xf32, #tpu.memory_space<hbm>>) target_semaphore(%arg32 : memref<!tpu.dma_semaphore, #tpu.memory_space<semaphore_mem>>)
      %dma_wait3A_1283 = tpu.memref_slice %arg5[%select_n3A_737, %mul3A_755] : memref<50x128xi32, #tpu.memory_space<vmem>> -> memref<1x64xi32, #tpu.memory_space<vmem>>
      %dma_wait3A_1284 = tpu.memref_squeeze %dma_wait3A_1283 : memref<1x64xi32, #tpu.memory_space<vmem>> -> memref<64xi32, #tpu.memory_space<vmem>>
      %dma_wait3A_1285 = arith.constant 0 : i32
      %dma_wait3A_1286 = arith.constant 0 : i32
      %dma_wait3A_1287 = tpu.memref_slice %arg3[%dma_wait3A_1285, %dma_wait3A_1286] : memref<100000x128xf32, #tpu.memory_space<hbm>> -> memref<100000x128xf32, #tpu.memory_space<hbm>>
      tpu.wait_indirect_dma semaphore(%arg23 : memref<!tpu.dma_semaphore, #tpu.memory_space<semaphore_mem>>) src(%dma_wait3A_1287 : memref<100000x128xf32, #tpu.memory_space<hbm>>) dst(%arg13 : memref<64x128xf32, #tpu.memory_space<vmem>>)
      %mul3A_1288 = arith.constant 10 : i32
      %mul3A_1289 = arith.muli %scan3A_306, %mul3A_1288 : i32
      %add3A_1290 = arith.constant 7 : i32
      %add3A_1291 = arith.addi %mul3A_1289, %add3A_1290 : i32
      %jit3A_1292 = arith.constant 2 : i32
      %div3A_1293 = arith.divsi %add3A_1291, %jit3A_1292 : i32
      %sign3A_1294 = arith.constant 0 : i32
      %sign3A_1295 = arith.cmpi sgt, %add3A_1291, %sign3A_1294 : i32
      %sign3A_1296 = arith.extui %sign3A_1295 : i1 to i32
      %sign3A_1297 = arith.constant 0 : i32
      %sign3A_1298 = arith.cmpi slt, %add3A_1291, %sign3A_1297 : i32
      %sign3A_1299 = arith.extui %sign3A_1298 : i1 to i32
      %sign3A_1300 = arith.subi %sign3A_1296, %sign3A_1299 : i32
      %sign3A_1301 = arith.constant 0 : i32
      %sign3A_1302 = arith.cmpi sgt, %jit3A_1292, %sign3A_1301 : i32
      %sign3A_1303 = arith.extui %sign3A_1302 : i1 to i32
      %sign3A_1304 = arith.constant 0 : i32
      %sign3A_1305 = arith.cmpi slt, %jit3A_1292, %sign3A_1304 : i32
      %sign3A_1306 = arith.extui %sign3A_1305 : i1 to i32
      %sign3A_1307 = arith.subi %sign3A_1303, %sign3A_1306 : i32
      %ne3A_1308 = arith.cmpi ne, %sign3A_1300, %sign3A_1307 : i32
      %rem3A_1309 = arith.remsi %add3A_1291, %jit3A_1292 : i32
      %ne3A_1310 = arith.constant 0 : i32
      %ne3A_1311 = arith.cmpi ne, %rem3A_1309, %ne3A_1310 : i32
      %and3A_1312 = arith.andi %ne3A_1308, %ne3A_1311 : i1
      %sub3A_1313 = arith.constant 1 : i32
      %sub3A_1314 = arith.subi %div3A_1293, %sub3A_1313 : i32
      %select_n3A_1315 = arith.select %and3A_1312, %sub3A_1314, %div3A_1293 : i32
      %jit3A_1316 = arith.constant 2 : i32
      %eq3A_1317 = arith.constant 0 : i32
      %eq3A_1318 = arith.cmpi eq, %jit3A_1316, %eq3A_1317 : i32
      %jit3A_1319 = arith.constant 1 : i32
      %select_n3A_1320 = arith.select %eq3A_1318, %jit3A_1319, %jit3A_1316 : i32
      %rem3A_1321 = arith.remsi %add3A_1291, %select_n3A_1320 : i32
      %ne3A_1322 = arith.constant 0 : i32
      %ne3A_1323 = arith.cmpi ne, %rem3A_1321, %ne3A_1322 : i32
      %lt3A_1324 = arith.constant 0 : i32
      %lt3A_1325 = arith.cmpi slt, %rem3A_1321, %lt3A_1324 : i32
      %lt3A_1326 = arith.constant 0 : i32
      %lt3A_1327 = arith.cmpi slt, %select_n3A_1320, %lt3A_1326 : i32
      %ne3A_1328 = arith.xori %lt3A_1325, %lt3A_1327 : i1
      %and3A_1329 = arith.andi %ne3A_1328, %ne3A_1323 : i1
      %add3A_1330 = arith.addi %rem3A_1321, %select_n3A_1320 : i32
      %select_n3A_1331 = arith.select %and3A_1329, %add3A_1330, %rem3A_1321 : i32
      %mul3A_1332 = arith.constant 64 : i32
      %mul3A_1333 = arith.muli %select_n3A_1331, %mul3A_1332 : i32
      %add3A_1334 = arith.addi %mul3A_2, %mul3A_1333 : i32
      %dma_start3A_1335 = arith.constant 0 : i32
      %dma_start3A_1336 = tpu.memref_slice %arg4[%select_n3A_1315, %add3A_1334, %dma_start3A_1335] : memref<50x4096x128xf32, #tpu.memory_space<hbm>> -> memref<1x64x128xf32, #tpu.memory_space<hbm>>
      %dma_start3A_1337 = tpu.memref_squeeze %dma_start3A_1336 : memref<1x64x128xf32, #tpu.memory_space<hbm>> -> memref<64x128xf32, #tpu.memory_space<hbm>>
      %dma_start3A_1338 = arith.constant 0 : i32
      %dma_start3A_1339 = tpu.memref_slice %arg4[%select_n3A_1315, %add3A_1334, %dma_start3A_1338] : memref<50x4096x128xf32, #tpu.memory_space<hbm>> -> memref<1x64x128xf32, #tpu.memory_space<hbm>>
      %dma_start3A_1340 = tpu.memref_squeeze %dma_start3A_1339 : memref<1x64x128xf32, #tpu.memory_space<hbm>> -> memref<64x128xf32, #tpu.memory_space<hbm>>
      tpu.enqueue_dma source(%arg13 : memref<64x128xf32, #tpu.memory_space<vmem>>) target(%dma_start3A_1340 : memref<64x128xf32, #tpu.memory_space<hbm>>) target_semaphore(%arg33 : memref<!tpu.dma_semaphore, #tpu.memory_space<semaphore_mem>>)
      %dma_wait3A_1341 = tpu.memref_slice %arg5[%select_n3A_795, %mul3A_813] : memref<50x128xi32, #tpu.memory_space<vmem>> -> memref<1x64xi32, #tpu.memory_space<vmem>>
      %dma_wait3A_1342 = tpu.memref_squeeze %dma_wait3A_1341 : memref<1x64xi32, #tpu.memory_space<vmem>> -> memref<64xi32, #tpu.memory_space<vmem>>
      %dma_wait3A_1343 = arith.constant 0 : i32
      %dma_wait3A_1344 = arith.constant 0 : i32
      %dma_wait3A_1345 = tpu.memref_slice %arg3[%dma_wait3A_1343, %dma_wait3A_1344] : memref<100000x128xf32, #tpu.memory_space<hbm>> -> memref<100000x128xf32, #tpu.memory_space<hbm>>
      tpu.wait_indirect_dma semaphore(%arg24 : memref<!tpu.dma_semaphore, #tpu.memory_space<semaphore_mem>>) src(%dma_wait3A_1345 : memref<100000x128xf32, #tpu.memory_space<hbm>>) dst(%arg14 : memref<64x128xf32, #tpu.memory_space<vmem>>)
      %mul3A_1346 = arith.constant 10 : i32
      %mul3A_1347 = arith.muli %scan3A_306, %mul3A_1346 : i32
      %add3A_1348 = arith.constant 8 : i32
      %add3A_1349 = arith.addi %mul3A_1347, %add3A_1348 : i32
      %jit3A_1350 = arith.constant 2 : i32
      %div3A_1351 = arith.divsi %add3A_1349, %jit3A_1350 : i32
      %sign3A_1352 = arith.constant 0 : i32
      %sign3A_1353 = arith.cmpi sgt, %add3A_1349, %sign3A_1352 : i32
      %sign3A_1354 = arith.extui %sign3A_1353 : i1 to i32
      %sign3A_1355 = arith.constant 0 : i32
      %sign3A_1356 = arith.cmpi slt, %add3A_1349, %sign3A_1355 : i32
      %sign3A_1357 = arith.extui %sign3A_1356 : i1 to i32
      %sign3A_1358 = arith.subi %sign3A_1354, %sign3A_1357 : i32
      %sign3A_1359 = arith.constant 0 : i32
      %sign3A_1360 = arith.cmpi sgt, %jit3A_1350, %sign3A_1359 : i32
      %sign3A_1361 = arith.extui %sign3A_1360 : i1 to i32
      %sign3A_1362 = arith.constant 0 : i32
      %sign3A_1363 = arith.cmpi slt, %jit3A_1350, %sign3A_1362 : i32
      %sign3A_1364 = arith.extui %sign3A_1363 : i1 to i32
      %sign3A_1365 = arith.subi %sign3A_1361, %sign3A_1364 : i32
      %ne3A_1366 = arith.cmpi ne, %sign3A_1358, %sign3A_1365 : i32
      %rem3A_1367 = arith.remsi %add3A_1349, %jit3A_1350 : i32
      %ne3A_1368 = arith.constant 0 : i32
      %ne3A_1369 = arith.cmpi ne, %rem3A_1367, %ne3A_1368 : i32
      %and3A_1370 = arith.andi %ne3A_1366, %ne3A_1369 : i1
      %sub3A_1371 = arith.constant 1 : i32
      %sub3A_1372 = arith.subi %div3A_1351, %sub3A_1371 : i32
      %select_n3A_1373 = arith.select %and3A_1370, %sub3A_1372, %div3A_1351 : i32
      %jit3A_1374 = arith.constant 2 : i32
      %eq3A_1375 = arith.constant 0 : i32
      %eq3A_1376 = arith.cmpi eq, %jit3A_1374, %eq3A_1375 : i32
      %jit3A_1377 = arith.constant 1 : i32
      %select_n3A_1378 = arith.select %eq3A_1376, %jit3A_1377, %jit3A_1374 : i32
      %rem3A_1379 = arith.remsi %add3A_1349, %select_n3A_1378 : i32
      %ne3A_1380 = arith.constant 0 : i32
      %ne3A_1381 = arith.cmpi ne, %rem3A_1379, %ne3A_1380 : i32
      %lt3A_1382 = arith.constant 0 : i32
      %lt3A_1383 = arith.cmpi slt, %rem3A_1379, %lt3A_1382 : i32
      %lt3A_1384 = arith.constant 0 : i32
      %lt3A_1385 = arith.cmpi slt, %select_n3A_1378, %lt3A_1384 : i32
      %ne3A_1386 = arith.xori %lt3A_1383, %lt3A_1385 : i1
      %and3A_1387 = arith.andi %ne3A_1386, %ne3A_1381 : i1
      %add3A_1388 = arith.addi %rem3A_1379, %select_n3A_1378 : i32
      %select_n3A_1389 = arith.select %and3A_1387, %add3A_1388, %rem3A_1379 : i32
      %mul3A_1390 = arith.constant 64 : i32
      %mul3A_1391 = arith.muli %select_n3A_1389, %mul3A_1390 : i32
      %add3A_1392 = arith.addi %mul3A_2, %mul3A_1391 : i32
      %dma_start3A_1393 = arith.constant 0 : i32
      %dma_start3A_1394 = tpu.memref_slice %arg4[%select_n3A_1373, %add3A_1392, %dma_start3A_1393] : memref<50x4096x128xf32, #tpu.memory_space<hbm>> -> memref<1x64x128xf32, #tpu.memory_space<hbm>>
      %dma_start3A_1395 = tpu.memref_squeeze %dma_start3A_1394 : memref<1x64x128xf32, #tpu.memory_space<hbm>> -> memref<64x128xf32, #tpu.memory_space<hbm>>
      %dma_start3A_1396 = arith.constant 0 : i32
      %dma_start3A_1397 = tpu.memref_slice %arg4[%select_n3A_1373, %add3A_1392, %dma_start3A_1396] : memref<50x4096x128xf32, #tpu.memory_space<hbm>> -> memref<1x64x128xf32, #tpu.memory_space<hbm>>
      %dma_start3A_1398 = tpu.memref_squeeze %dma_start3A_1397 : memref<1x64x128xf32, #tpu.memory_space<hbm>> -> memref<64x128xf32, #tpu.memory_space<hbm>>
      tpu.enqueue_dma source(%arg14 : memref<64x128xf32, #tpu.memory_space<vmem>>) target(%dma_start3A_1398 : memref<64x128xf32, #tpu.memory_space<hbm>>) target_semaphore(%arg34 : memref<!tpu.dma_semaphore, #tpu.memory_space<semaphore_mem>>)
      %dma_wait3A_1399 = tpu.memref_slice %arg5[%select_n3A_853, %mul3A_871] : memref<50x128xi32, #tpu.memory_space<vmem>> -> memref<1x64xi32, #tpu.memory_space<vmem>>
      %dma_wait3A_1400 = tpu.memref_squeeze %dma_wait3A_1399 : memref<1x64xi32, #tpu.memory_space<vmem>> -> memref<64xi32, #tpu.memory_space<vmem>>
      %dma_wait3A_1401 = arith.constant 0 : i32
      %dma_wait3A_1402 = arith.constant 0 : i32
      %dma_wait3A_1403 = tpu.memref_slice %arg3[%dma_wait3A_1401, %dma_wait3A_1402] : memref<100000x128xf32, #tpu.memory_space<hbm>> -> memref<100000x128xf32, #tpu.memory_space<hbm>>
      tpu.wait_indirect_dma semaphore(%arg25 : memref<!tpu.dma_semaphore, #tpu.memory_space<semaphore_mem>>) src(%dma_wait3A_1403 : memref<100000x128xf32, #tpu.memory_space<hbm>>) dst(%arg15 : memref<64x128xf32, #tpu.memory_space<vmem>>)
      %mul3A_1404 = arith.constant 10 : i32
      %mul3A_1405 = arith.muli %scan3A_306, %mul3A_1404 : i32
      %add3A_1406 = arith.constant 9 : i32
      %add3A_1407 = arith.addi %mul3A_1405, %add3A_1406 : i32
      %jit3A_1408 = arith.constant 2 : i32
      %div3A_1409 = arith.divsi %add3A_1407, %jit3A_1408 : i32
      %sign3A_1410 = arith.constant 0 : i32
      %sign3A_1411 = arith.cmpi sgt, %add3A_1407, %sign3A_1410 : i32
      %sign3A_1412 = arith.extui %sign3A_1411 : i1 to i32
      %sign3A_1413 = arith.constant 0 : i32
      %sign3A_1414 = arith.cmpi slt, %add3A_1407, %sign3A_1413 : i32
      %sign3A_1415 = arith.extui %sign3A_1414 : i1 to i32
      %sign3A_1416 = arith.subi %sign3A_1412, %sign3A_1415 : i32
      %sign3A_1417 = arith.constant 0 : i32
      %sign3A_1418 = arith.cmpi sgt, %jit3A_1408, %sign3A_1417 : i32
      %sign3A_1419 = arith.extui %sign3A_1418 : i1 to i32
      %sign3A_1420 = arith.constant 0 : i32
      %sign3A_1421 = arith.cmpi slt, %jit3A_1408, %sign3A_1420 : i32
      %sign3A_1422 = arith.extui %sign3A_1421 : i1 to i32
      %sign3A_1423 = arith.subi %sign3A_1419, %sign3A_1422 : i32
      %ne3A_1424 = arith.cmpi ne, %sign3A_1416, %sign3A_1423 : i32
      %rem3A_1425 = arith.remsi %add3A_1407, %jit3A_1408 : i32
      %ne3A_1426 = arith.constant 0 : i32
      %ne3A_1427 = arith.cmpi ne, %rem3A_1425, %ne3A_1426 : i32
      %and3A_1428 = arith.andi %ne3A_1424, %ne3A_1427 : i1
      %sub3A_1429 = arith.constant 1 : i32
      %sub3A_1430 = arith.subi %div3A_1409, %sub3A_1429 : i32
      %select_n3A_1431 = arith.select %and3A_1428, %sub3A_1430, %div3A_1409 : i32
      %jit3A_1432 = arith.constant 2 : i32
      %eq3A_1433 = arith.constant 0 : i32
      %eq3A_1434 = arith.cmpi eq, %jit3A_1432, %eq3A_1433 : i32
      %jit3A_1435 = arith.constant 1 : i32
      %select_n3A_1436 = arith.select %eq3A_1434, %jit3A_1435, %jit3A_1432 : i32
      %rem3A_1437 = arith.remsi %add3A_1407, %select_n3A_1436 : i32
      %ne3A_1438 = arith.constant 0 : i32
      %ne3A_1439 = arith.cmpi ne, %rem3A_1437, %ne3A_1438 : i32
      %lt3A_1440 = arith.constant 0 : i32
      %lt3A_1441 = arith.cmpi slt, %rem3A_1437, %lt3A_1440 : i32
      %lt3A_1442 = arith.constant 0 : i32
      %lt3A_1443 = arith.cmpi slt, %select_n3A_1436, %lt3A_1442 : i32
      %ne3A_1444 = arith.xori %lt3A_1441, %lt3A_1443 : i1
      %and3A_1445 = arith.andi %ne3A_1444, %ne3A_1439 : i1
      %add3A_1446 = arith.addi %rem3A_1437, %select_n3A_1436 : i32
      %select_n3A_1447 = arith.select %and3A_1445, %add3A_1446, %rem3A_1437 : i32
      %mul3A_1448 = arith.constant 64 : i32
      %mul3A_1449 = arith.muli %select_n3A_1447, %mul3A_1448 : i32
      %add3A_1450 = arith.addi %mul3A_2, %mul3A_1449 : i32
      %dma_start3A_1451 = arith.constant 0 : i32
      %dma_start3A_1452 = tpu.memref_slice %arg4[%select_n3A_1431, %add3A_1450, %dma_start3A_1451] : memref<50x4096x128xf32, #tpu.memory_space<hbm>> -> memref<1x64x128xf32, #tpu.memory_space<hbm>>
      %dma_start3A_1453 = tpu.memref_squeeze %dma_start3A_1452 : memref<1x64x128xf32, #tpu.memory_space<hbm>> -> memref<64x128xf32, #tpu.memory_space<hbm>>
      %dma_start3A_1454 = arith.constant 0 : i32
      %dma_start3A_1455 = tpu.memref_slice %arg4[%select_n3A_1431, %add3A_1450, %dma_start3A_1454] : memref<50x4096x128xf32, #tpu.memory_space<hbm>> -> memref<1x64x128xf32, #tpu.memory_space<hbm>>
      %dma_start3A_1456 = tpu.memref_squeeze %dma_start3A_1455 : memref<1x64x128xf32, #tpu.memory_space<hbm>> -> memref<64x128xf32, #tpu.memory_space<hbm>>
      tpu.enqueue_dma source(%arg15 : memref<64x128xf32, #tpu.memory_space<vmem>>) target(%dma_start3A_1456 : memref<64x128xf32, #tpu.memory_space<hbm>>) target_semaphore(%arg35 : memref<!tpu.dma_semaphore, #tpu.memory_space<semaphore_mem>>)
    }
    %scan3A_235 = arith.constant 9 : i32
    %dma_wait3A_236 = arith.constant 0 : i32
    %dma_wait3A_237 = arith.constant 0 : i32
    %dma_wait3A_238 = tpu.memref_slice %arg4[%dma_wait3A_236, %mul3A_2, %dma_wait3A_237] : memref<50x4096x128xf32, #tpu.memory_space<hbm>> -> memref<1x64x128xf32, #tpu.memory_space<hbm>>
    %dma_wait3A_239 = tpu.memref_squeeze %dma_wait3A_238 : memref<1x64x128xf32, #tpu.memory_space<hbm>> -> memref<64x128xf32, #tpu.memory_space<hbm>>
    %dma_wait3A_240 = arith.constant 0 : i32
    %dma_wait3A_241 = tpu.memref_slice %arg4[%dma_wait3A_236, %mul3A_2, %dma_wait3A_240] : memref<50x4096x128xf32, #tpu.memory_space<hbm>> -> memref<1x64x128xf32, #tpu.memory_space<hbm>>
    %dma_wait3A_242 = tpu.memref_squeeze %dma_wait3A_241 : memref<1x64x128xf32, #tpu.memory_space<hbm>> -> memref<64x128xf32, #tpu.memory_space<hbm>>
    tpu.wait_dma2 semaphore(%arg26 : memref<!tpu.dma_semaphore, #tpu.memory_space<semaphore_mem>>) src(%arg6 : memref<64x128xf32, #tpu.memory_space<vmem>>) dst(%dma_wait3A_242 : memref<64x128xf32, #tpu.memory_space<hbm>>)
    %dma_wait3A_243 = arith.constant 0 : i32
    %dma_wait3A_244 = arith.constant 0 : i32
    %dma_wait3A_245 = tpu.memref_slice %arg4[%dma_wait3A_243, %mul3A_2, %dma_wait3A_244] : memref<50x4096x128xf32, #tpu.memory_space<hbm>> -> memref<1x64x128xf32, #tpu.memory_space<hbm>>
    %dma_wait3A_246 = tpu.memref_squeeze %dma_wait3A_245 : memref<1x64x128xf32, #tpu.memory_space<hbm>> -> memref<64x128xf32, #tpu.memory_space<hbm>>
    %dma_wait3A_247 = arith.constant 0 : i32
    %dma_wait3A_248 = tpu.memref_slice %arg4[%dma_wait3A_243, %mul3A_2, %dma_wait3A_247] : memref<50x4096x128xf32, #tpu.memory_space<hbm>> -> memref<1x64x128xf32, #tpu.memory_space<hbm>>
    %dma_wait3A_249 = tpu.memref_squeeze %dma_wait3A_248 : memref<1x64x128xf32, #tpu.memory_space<hbm>> -> memref<64x128xf32, #tpu.memory_space<hbm>>
    tpu.wait_dma2 semaphore(%arg27 : memref<!tpu.dma_semaphore, #tpu.memory_space<semaphore_mem>>) src(%arg7 : memref<64x128xf32, #tpu.memory_space<vmem>>) dst(%dma_wait3A_249 : memref<64x128xf32, #tpu.memory_space<hbm>>)
    %dma_wait3A_250 = arith.constant 0 : i32
    %dma_wait3A_251 = arith.constant 0 : i32
    %dma_wait3A_252 = tpu.memref_slice %arg4[%dma_wait3A_250, %mul3A_2, %dma_wait3A_251] : memref<50x4096x128xf32, #tpu.memory_space<hbm>> -> memref<1x64x128xf32, #tpu.memory_space<hbm>>
    %dma_wait3A_253 = tpu.memref_squeeze %dma_wait3A_252 : memref<1x64x128xf32, #tpu.memory_space<hbm>> -> memref<64x128xf32, #tpu.memory_space<hbm>>
    %dma_wait3A_254 = arith.constant 0 : i32
    %dma_wait3A_255 = tpu.memref_slice %arg4[%dma_wait3A_250, %mul3A_2, %dma_wait3A_254] : memref<50x4096x128xf32, #tpu.memory_space<hbm>> -> memref<1x64x128xf32, #tpu.memory_space<hbm>>
    %dma_wait3A_256 = tpu.memref_squeeze %dma_wait3A_255 : memref<1x64x128xf32, #tpu.memory_space<hbm>> -> memref<64x128xf32, #tpu.memory_space<hbm>>
    tpu.wait_dma2 semaphore(%arg28 : memref<!tpu.dma_semaphore, #tpu.memory_space<semaphore_mem>>) src(%arg8 : memref<64x128xf32, #tpu.memory_space<vmem>>) dst(%dma_wait3A_256 : memref<64x128xf32, #tpu.memory_space<hbm>>)
    %dma_wait3A_257 = arith.constant 0 : i32
    %dma_wait3A_258 = arith.constant 0 : i32
    %dma_wait3A_259 = tpu.memref_slice %arg4[%dma_wait3A_257, %mul3A_2, %dma_wait3A_258] : memref<50x4096x128xf32, #tpu.memory_space<hbm>> -> memref<1x64x128xf32, #tpu.memory_space<hbm>>
    %dma_wait3A_260 = tpu.memref_squeeze %dma_wait3A_259 : memref<1x64x128xf32, #tpu.memory_space<hbm>> -> memref<64x128xf32, #tpu.memory_space<hbm>>
    %dma_wait3A_261 = arith.constant 0 : i32
    %dma_wait3A_262 = tpu.memref_slice %arg4[%dma_wait3A_257, %mul3A_2, %dma_wait3A_261] : memref<50x4096x128xf32, #tpu.memory_space<hbm>> -> memref<1x64x128xf32, #tpu.memory_space<hbm>>
    %dma_wait3A_263 = tpu.memref_squeeze %dma_wait3A_262 : memref<1x64x128xf32, #tpu.memory_space<hbm>> -> memref<64x128xf32, #tpu.memory_space<hbm>>
    tpu.wait_dma2 semaphore(%arg29 : memref<!tpu.dma_semaphore, #tpu.memory_space<semaphore_mem>>) src(%arg9 : memref<64x128xf32, #tpu.memory_space<vmem>>) dst(%dma_wait3A_263 : memref<64x128xf32, #tpu.memory_space<hbm>>)
    %dma_wait3A_264 = arith.constant 0 : i32
    %dma_wait3A_265 = arith.constant 0 : i32
    %dma_wait3A_266 = tpu.memref_slice %arg4[%dma_wait3A_264, %mul3A_2, %dma_wait3A_265] : memref<50x4096x128xf32, #tpu.memory_space<hbm>> -> memref<1x64x128xf32, #tpu.memory_space<hbm>>
    %dma_wait3A_267 = tpu.memref_squeeze %dma_wait3A_266 : memref<1x64x128xf32, #tpu.memory_space<hbm>> -> memref<64x128xf32, #tpu.memory_space<hbm>>
    %dma_wait3A_268 = arith.constant 0 : i32
    %dma_wait3A_269 = tpu.memref_slice %arg4[%dma_wait3A_264, %mul3A_2, %dma_wait3A_268] : memref<50x4096x128xf32, #tpu.memory_space<hbm>> -> memref<1x64x128xf32, #tpu.memory_space<hbm>>
    %dma_wait3A_270 = tpu.memref_squeeze %dma_wait3A_269 : memref<1x64x128xf32, #tpu.memory_space<hbm>> -> memref<64x128xf32, #tpu.memory_space<hbm>>
    tpu.wait_dma2 semaphore(%arg30 : memref<!tpu.dma_semaphore, #tpu.memory_space<semaphore_mem>>) src(%arg10 : memref<64x128xf32, #tpu.memory_space<vmem>>) dst(%dma_wait3A_270 : memref<64x128xf32, #tpu.memory_space<hbm>>)
    %dma_wait3A_271 = arith.constant 0 : i32
    %dma_wait3A_272 = arith.constant 0 : i32
    %dma_wait3A_273 = tpu.memref_slice %arg4[%dma_wait3A_271, %mul3A_2, %dma_wait3A_272] : memref<50x4096x128xf32, #tpu.memory_space<hbm>> -> memref<1x64x128xf32, #tpu.memory_space<hbm>>
    %dma_wait3A_274 = tpu.memref_squeeze %dma_wait3A_273 : memref<1x64x128xf32, #tpu.memory_space<hbm>> -> memref<64x128xf32, #tpu.memory_space<hbm>>
    %dma_wait3A_275 = arith.constant 0 : i32
    %dma_wait3A_276 = tpu.memref_slice %arg4[%dma_wait3A_271, %mul3A_2, %dma_wait3A_275] : memref<50x4096x128xf32, #tpu.memory_space<hbm>> -> memref<1x64x128xf32, #tpu.memory_space<hbm>>
    %dma_wait3A_277 = tpu.memref_squeeze %dma_wait3A_276 : memref<1x64x128xf32, #tpu.memory_space<hbm>> -> memref<64x128xf32, #tpu.memory_space<hbm>>
    tpu.wait_dma2 semaphore(%arg31 : memref<!tpu.dma_semaphore, #tpu.memory_space<semaphore_mem>>) src(%arg11 : memref<64x128xf32, #tpu.memory_space<vmem>>) dst(%dma_wait3A_277 : memref<64x128xf32, #tpu.memory_space<hbm>>)
    %dma_wait3A_278 = arith.constant 0 : i32
    %dma_wait3A_279 = arith.constant 0 : i32
    %dma_wait3A_280 = tpu.memref_slice %arg4[%dma_wait3A_278, %mul3A_2, %dma_wait3A_279] : memref<50x4096x128xf32, #tpu.memory_space<hbm>> -> memref<1x64x128xf32, #tpu.memory_space<hbm>>
    %dma_wait3A_281 = tpu.memref_squeeze %dma_wait3A_280 : memref<1x64x128xf32, #tpu.memory_space<hbm>> -> memref<64x128xf32, #tpu.memory_space<hbm>>
    %dma_wait3A_282 = arith.constant 0 : i32
    %dma_wait3A_283 = tpu.memref_slice %arg4[%dma_wait3A_278, %mul3A_2, %dma_wait3A_282] : memref<50x4096x128xf32, #tpu.memory_space<hbm>> -> memref<1x64x128xf32, #tpu.memory_space<hbm>>
    %dma_wait3A_284 = tpu.memref_squeeze %dma_wait3A_283 : memref<1x64x128xf32, #tpu.memory_space<hbm>> -> memref<64x128xf32, #tpu.memory_space<hbm>>
    tpu.wait_dma2 semaphore(%arg32 : memref<!tpu.dma_semaphore, #tpu.memory_space<semaphore_mem>>) src(%arg12 : memref<64x128xf32, #tpu.memory_space<vmem>>) dst(%dma_wait3A_284 : memref<64x128xf32, #tpu.memory_space<hbm>>)
    %dma_wait3A_285 = arith.constant 0 : i32
    %dma_wait3A_286 = arith.constant 0 : i32
    %dma_wait3A_287 = tpu.memref_slice %arg4[%dma_wait3A_285, %mul3A_2, %dma_wait3A_286] : memref<50x4096x128xf32, #tpu.memory_space<hbm>> -> memref<1x64x128xf32, #tpu.memory_space<hbm>>
    %dma_wait3A_288 = tpu.memref_squeeze %dma_wait3A_287 : memref<1x64x128xf32, #tpu.memory_space<hbm>> -> memref<64x128xf32, #tpu.memory_space<hbm>>
    %dma_wait3A_289 = arith.constant 0 : i32
    %dma_wait3A_290 = tpu.memref_slice %arg4[%dma_wait3A_285, %mul3A_2, %dma_wait3A_289] : memref<50x4096x128xf32, #tpu.memory_space<hbm>> -> memref<1x64x128xf32, #tpu.memory_space<hbm>>
    %dma_wait3A_291 = tpu.memref_squeeze %dma_wait3A_290 : memref<1x64x128xf32, #tpu.memory_space<hbm>> -> memref<64x128xf32, #tpu.memory_space<hbm>>
    tpu.wait_dma2 semaphore(%arg33 : memref<!tpu.dma_semaphore, #tpu.memory_space<semaphore_mem>>) src(%arg13 : memref<64x128xf32, #tpu.memory_space<vmem>>) dst(%dma_wait3A_291 : memref<64x128xf32, #tpu.memory_space<hbm>>)
    %dma_wait3A_292 = arith.constant 0 : i32
    %dma_wait3A_293 = arith.constant 0 : i32
    %dma_wait3A_294 = tpu.memref_slice %arg4[%dma_wait3A_292, %mul3A_2, %dma_wait3A_293] : memref<50x4096x128xf32, #tpu.memory_space<hbm>> -> memref<1x64x128xf32, #tpu.memory_space<hbm>>
    %dma_wait3A_295 = tpu.memref_squeeze %dma_wait3A_294 : memref<1x64x128xf32, #tpu.memory_space<hbm>> -> memref<64x128xf32, #tpu.memory_space<hbm>>
    %dma_wait3A_296 = arith.constant 0 : i32
    %dma_wait3A_297 = tpu.memref_slice %arg4[%dma_wait3A_292, %mul3A_2, %dma_wait3A_296] : memref<50x4096x128xf32, #tpu.memory_space<hbm>> -> memref<1x64x128xf32, #tpu.memory_space<hbm>>
    %dma_wait3A_298 = tpu.memref_squeeze %dma_wait3A_297 : memref<1x64x128xf32, #tpu.memory_space<hbm>> -> memref<64x128xf32, #tpu.memory_space<hbm>>
    tpu.wait_dma2 semaphore(%arg34 : memref<!tpu.dma_semaphore, #tpu.memory_space<semaphore_mem>>) src(%arg14 : memref<64x128xf32, #tpu.memory_space<vmem>>) dst(%dma_wait3A_298 : memref<64x128xf32, #tpu.memory_space<hbm>>)
    %dma_wait3A_299 = arith.constant 0 : i32
    %dma_wait3A_300 = arith.constant 0 : i32
    %dma_wait3A_301 = tpu.memref_slice %arg4[%dma_wait3A_299, %mul3A_2, %dma_wait3A_300] : memref<50x4096x128xf32, #tpu.memory_space<hbm>> -> memref<1x64x128xf32, #tpu.memory_space<hbm>>
    %dma_wait3A_302 = tpu.memref_squeeze %dma_wait3A_301 : memref<1x64x128xf32, #tpu.memory_space<hbm>> -> memref<64x128xf32, #tpu.memory_space<hbm>>
    %dma_wait3A_303 = arith.constant 0 : i32
    %dma_wait3A_304 = tpu.memref_slice %arg4[%dma_wait3A_299, %mul3A_2, %dma_wait3A_303] : memref<50x4096x128xf32, #tpu.memory_space<hbm>> -> memref<1x64x128xf32, #tpu.memory_space<hbm>>
    %dma_wait3A_305 = tpu.memref_squeeze %dma_wait3A_304 : memref<1x64x128xf32, #tpu.memory_space<hbm>> -> memref<64x128xf32, #tpu.memory_space<hbm>>
    tpu.wait_dma2 semaphore(%arg35 : memref<!tpu.dma_semaphore, #tpu.memory_space<semaphore_mem>>) src(%arg15 : memref<64x128xf32, #tpu.memory_space<vmem>>) dst(%dma_wait3A_305 : memref<64x128xf32, #tpu.memory_space<hbm>>)
    return
  }
}

</mosaic_0001>

<sc_bundles>
// kernel: kernel.3.cloned.1.call-start
scs
__scs_entry_jumppad:
0x0: {  	(pc) =	sbr.rel $0x88, $3  }
0x1: {  	(tag) =	ssettag $0x0;
	lr =	simm.s32 $0x1  }
0x2: {  	[smem:$0x3F9F] =	sst lr;
	_ =	strace $0xD0000000  }
0x3: {  	_ = 	snop  }
0x4: {  	_ = 	snop  }
0x5: {  	_ = 	snop  }
0x6: {  	_ = 	snop  }
0x7: {  	_ = 	snop  }
__scs_overlays_trampoline_lowered:
0x8: {  	[smem:$0x3FAE] =	sst s0  }
0x9: {  	[smem:$0x3FAF] =	sst s1  }
0xa: {  	[smem:$0x3FB0] =	sst s2  }
0xb: {  	[smem:$0x3FB1] =	sst s3  }
0xc: {  	[smem:$0x3FB2] =	sst s4  }
0xd: {  	[smem:$0x3FB3] =	sst s5  }
0xe: {  	[smem:$0x3FB4] =	sst s6  }
0xf: {  	[smem:$0x3FB5] =	sst s7  }
0x10: {  	[smem:$0x3FB6] =	sst s8  }
0x11: {  	[smem:$0x3FB7] =	sst s9;
	s0 =	simm.s32 @!p0 $0x0  }
0x12: {  	s1 =	sld [smem:$0x3F9D];
	s0 =	simm.s32 @p0 $0x1  }
0x13: {  	[smem:$0x3FB8] =	sst s0;
	s0 =	simm.s32 @!p1 $0x0  }
0x14: {  	s2 =	sld [smem:$0x3F9C];
	s0 =	simm.s32 @p1 $0x1  }
0x15: {  	[smem:$0x3FB9] =	sst s0;
	s0 =	simm.s32 @!p2 $0x0  }
0x16: {  	s3 =	sld [smem:$0x3FDB];
	s0 =	simm.s32 @p2 $0x1  }
0x17: {  	s4 =	simm.s32 $0x1BF5;
	[smem:$0x3FBB] =	sst s0  }
0x18: {  	s0 =	sld [smem:$0x3F9E];
	_ =	swait.ge [sflag:s4], $0x0  }
0x19: {  	s7 =	sld [smem:$0x3F9F]  }
0x1a: {  	s8 =	sadd.s32 $0xFFFFE003, lr  }
0x1b: {  	s9 =	sadd.s32 $0xFFFFFEF7, lr;
	s5 =	simm.s32 $0xFFFFFFFF;
	p2 =	slt.u32 s8, $0xFFFFF086  }
0x1c: {  	p1 =	slt.u32 s9, $0xF7A;
	s5 =	simm.s32 @!p2 $0x0  }
0x1d: {  	s5 =	simm.s32 @p1 $0x1;
	p0 =	seq.s32 s7, s2  }
0x1e: {  	s7 =	smul.u32 @!p0 $0xF7A, s2;
	p2 =	seq.s32 @!p0 s5, $0x0  }
0x1f: {  	s9 =	smul.u32 $0xF7A, s1;
	s8 =	simm.s32 @!p0 $0x1BF5;
	p2 =	por !p2, p0  }
0x20: {  	[sflag:s8] =	ssyncset.s32 @!p0 $0xFFFFF086;
	s6 =	sadd.s32 @!p0 s3, s7;
	s7 =	simm.s32 @!p0 $0x108  }
0x21: {  	s3 =	sadd.s32 s3, s9;
	s6 =	sadd.s32 @!p0 $0x88, s6;
	s7 =	simm.s32 @p2 $0x1082  }
0x22: {  	[simem:s7], [sflag:s8] =	dma.local @!p0 [hbm:s6], $0xF7A  }
0x23: {  	s9 =	sor.u32 $0xD0000000, s2;
	s6 =	simm.s32 $0x108;
	_ =	swait.ge @!p0 [sflag:s8], $0x0  }
0x24: {  	s3 =	sadd.s32 $0x88, s3;
	s6 =	simm.s32 @!p1 $0x1082;
	[sflag:s4] =	ssyncset.s32 $0xFFFFF086  }
0x25: {  	[simem:s6], [sflag:s4] =	dma.local [hbm:s3], $0xF7A  }
0x26: {  	[smem:$0x3F9F] =	sst s1;
	(tag) =	ssettag s2;
	_ =	strace s9  }
0x27: {  	s1 =	sld [smem:$0x3FAF]  }
0x28: {  	s2 =	sld [smem:$0x3FB0]  }
0x29: {  	s4 =	sld [smem:$0x3FB2]  }
0x2a: {  	p0 =	seq.s32 s5, $0x0;
	s5 =	sld [smem:$0x3FB3]  }
0x2b: {  	s6 =	sld [smem:$0x3FB4]  }
0x2c: {  	s7 =	sld [smem:$0x3FB5]  }
0x2d: {  	s3 =	simm.s32 $0x108;
	s8 =	sld [smem:$0x3FB6]  }
0x2e: {  	s3 =	simm.s32 @!p0 $0x1082;
	s9 =	sld [smem:$0x3FB7]  }
0x2f: {  	lr =	sadd.s32 s0, s3;
	s0 =	sld [smem:$0x3FAE]  }
0x30: {  	s3 =	sld [smem:$0x3FB1]  }
0x31: {  	[smem:$0x3FBA] =	sst s10  }
0x32: {  	s10 =	sld [smem:$0x3FB8];
	_ =	sdelay $0x3  }
0x33: {  	p0 =	seq.s32 s10, $0x1;
	s10 =	sld [smem:$0x3FBA];
	_ =	sdelay $0x3  }
0x34: {  	[smem:$0x3FBA] =	sst s10  }
0x35: {  	s10 =	sld [smem:$0x3FB9];
	_ =	sdelay $0x3  }
0x36: {  	p1 =	seq.s32 s10, $0x1;
	s10 =	sld [smem:$0x3FBA];
	_ =	sdelay $0x3  }
0x37: {  	[smem:$0x3FBA] =	sst s10  }
0x38: {  	s10 =	sld [smem:$0x3FBB]  }
0x39: {  	_ = 	snop;
	(pc) =	sbr.ind lr, $3  }
0x3a: {  	_ = 	snop  }
0x3b: {  	_ = 	snop  }
0x3c: {  	p2 =	seq.s32 s10, $0x1;
	s10 =	sld [smem:$0x3FBA]  }
0x3d: {  	_ =	shalt  }
0x3e: {  	_ =	shalt  }
0x3f: {  	_ =	shalt  }
0x40: {  	_ =	shalt  }
0x41: {  	_ =	shalt  }
0x42: {  	_ =	shalt  }
0x43: {  	_ =	shalt  }
0x44: {  	_ =	shalt  }
0x45: {  	_ =	shalt  }
0x46: {  	_ =	shalt  }
0x47: {  	_ =	shalt  }
0x48: {  	_ =	shalt  }
0x49: {  	_ =	shalt  }
0x4a: {  	_ =	shalt  }
0x4b: {  	_ =	shalt  }
0x4c: {  	_ =	shalt  }
0x4d: {  	_ =	shalt  }
0x4e: {  	_ =	shalt  }
0x4f: {  	_ =	shalt  }
0x50: {  	_ =	shalt  }
0x51: {  	_ =	shalt  }
0x52: {  	_ =	shalt  }
0x53: {  	_ =	shalt  }
0x54: {  	_ =	shalt  }
0x55: {  	_ =	shalt  }
0x56: {  	_ =	shalt  }
0x57: {  	_ =	shalt  }
0x58: {  	_ =	shalt  }
0x59: {  	_ =	shalt  }
0x5a: {  	_ =	shalt  }
0x5b: {  	_ =	shalt  }
0x5c: {  	_ =	shalt  }
0x5d: {  	_ =	shalt  }
0x5e: {  	_ =	shalt  }
0x5f: {  	_ =	shalt  }
0x60: {  	_ =	shalt  }
0x61: {  	_ =	shalt  }
0x62: {  	_ =	shalt  }
0x63: {  	_ =	shalt  }
0x64: {  	_ =	shalt  }
0x65: {  	_ =	shalt  }
0x66: {  	_ =	shalt  }
0x67: {  	_ =	shalt  }
0x68: {  	_ =	shalt  }
0x69: {  	_ =	shalt  }
0x6a: {  	_ =	shalt  }
0x6b: {  	_ =	shalt  }
0x6c: {  	_ =	shalt  }
0x6d: {  	_ =	shalt  }
0x6e: {  	_ =	shalt  }
0x6f: {  	_ =	shalt  }
0x70: {  	_ =	shalt  }
0x71: {  	_ =	shalt  }
0x72: {  	_ =	shalt  }
0x73: {  	_ =	shalt  }
0x74: {  	_ =	shalt  }
0x75: {  	_ =	shalt  }
0x76: {  	_ =	shalt  }
0x77: {  	_ =	shalt  }
0x78: {  	_ =	shalt  }
0x79: {  	_ =	shalt  }
0x7a: {  	_ =	shalt  }
0x7b: {  	_ =	shalt  }
0x7c: {  	_ =	shalt  }
0x7d: {  	_ =	shalt  }
0x7e: {  	_ =	shalt  }
0x7f: {  	_ =	shalt  }
0x80: {  	_ =	shalt  }
0x81: {  	_ =	shalt  }
0x82: {  	_ =	shalt  }
0x83: {  	_ =	shalt  }
0x84: {  	_ =	shalt  }
0x85: {  	_ =	shalt  }
0x86: {  	_ =	shalt  }
0x87: {  	_ =	shalt  }
.Lfunc_end0:
.L_simem_size_0:
called_computation_lowered:
.L_overlay_start_0:
0x88: {  	s2 =	sld [smem:$0x3FD9]  }
0x89: {  	s3 =	sld [smem:$0x3FFE];
	_ =	sdelay $0x1  }
0x8a: {  	s1 =	srdreg.scid  }
0x8b: {  	s0 =	sand.u32 $0x1, s1  }
0x8c: {  	s17 =	sshll.u32 s0, $0xA;
	s2 =	sadd.s32 s3, s2  }
0x8d: {  	s2 =	sadd.s32 s2, s17  }
0x8e: {  	[smem:$0x3FC6] =	sst s2  }
0x8f: {  	_ = 	snop  }
0x90: {  	s2 =	sld [smem:$0x3FC8]  }
0x91: {  	s18 =	sld [smem:$0x3FD0];
	(tm) =	ssettm $0x1  }
0x92: {  	s4 =	sld [smem:$0x3FFB];
	_ =	sdelay $0x3  }
0x93: {  	_ =	strace s4  }
0x94: {  	s4 =	sld [smem:$0x3FFC];
	_ =	sdelay $0x3  }
0x95: {  	_ =	strace s4  }
0x96: {  	s4 =	sld [smem:$0x3FFD];
	_ =	sdelay $0x3  }
0x97: {  	_ =	strace s4  }
0x98: {  	_ =	strace $0x8FFFFFFF  }
0x99: {  	s19 =	sld [smem:$0x3FDB];
	_ =	sdelay $0x1  }
0x9a: {  	s5 =	simm.s32 $_scs_section_size  }
0x9b: {  	s6 =	simm.s32 $_size__tile_overlayer_lowered;
	s7 =	simm.s32 $_tile_overlayer_lowered  }
0x9c: {  	s22 =	simm.s32 $0x1BFF;
	s21 =	sshll.u32 s7, $0x1;
	s4 =	sadd.s32 s5, s19  }
0x9d: {  	s8 =	simm.s32 $0x0;
	s20 =	sshll.u32 s6, $0x1;
	s6 =	sadd.s32 s21, s4  }
0x9e: {  	[timem:s8], [sflag:s22] =	dma.local [hbm:s6], s20  }
0x9f: {  	_ =	swait.ge [sflag:s22], s20  }
0xa0: {  	s5 =	ssub.s32 $0x0, s20;
	[sflag:s22] =	ssyncset.done $0x0  }
0xa1: {  	[sflag:s22] =	ssyncadd.s32 s5;
	_ =	sdelay $0x1  }
0xa2: {  	s23 =	simm.s32 $0x1B8B  }
0xa3: {  	_ =	swait.ge [sflag:s23], $0x1  }
0xa4: {  	[sflag:s23] =	ssyncset.done $0x0  }
0xa5: {  	s25 =	simm.s32 $0x1B8E;
	s24 =	sld [smem:$0x3FFE];
	[sflag:s23] =	ssyncadd.s32 $0xFFFFFFFF  }
0xa6: {  	s26 =	simm.s32 $execute0_lowered;
	[smem:$0x3FD2] =	sst s25  }
0xa7: {  	s6 =	sshll.u32 s26, $0x1;
	_ =	strace $0x80000046;
	[dreg:$0x1] =	wrdreg $0xFFFFFFFF  }
0xa8: {  	s28 =	simm.s32 $_size_execute0_lowered;
	s4 =	sadd.s32 s4, s6;
	[dreg:$0x0] =	wrdreg $0x0  }
0xa9: {  	s6 =	sshll.u32 s28, $0x1;
	[dreg:$0x2] =	wrdreg s4  }
0xaa: {  	[dreg:$0x3] =	wrdreg s6  }
0xab: {  	[dreg:$0x4] =	wrdreg $0xC0  }
0xac: {  	_ =	task [dreg:s8], $0x5FFFF  }
0xad: {  	[dreg:$0x1] =	wrdreg $0xFFFFFFFF  }
0xae: {  	[dreg:$0x0] =	wrdreg $0x60  }
0xaf: {  	[dreg:$0x2] =	wrdreg s24  }
0xb0: {  	[dreg:$0x3] =	wrdreg s2  }
0xb1: {  	[dreg:$0x4] =	wrdreg s18  }
0xb2: {  	[dreg:$0x5] =	wrdreg $0x9  }
0xb3: {  	_ =	task.clear_ibuf [dreg:s8], $0x6FFFF;
	_ =	strace $0x90000046  }
0xb4: {  	s29 =	simm.s32 $0x9;
	_ =	strace $0x80000048  }
0xb5: {  	_ =	swait.ge [sflag:s29], $0x1  }
0xb6: {  	[sflag:s29] =	ssyncadd.s32 $0xFFFFFFFF  }
0xb7: {  	_ =	strace $0x90000048  }
0xb8: {  	_ =	sfence  }
0xb9: {  	s30 =	sld [smem:$0x0];
	_ =	sdelay $0x2  }
0xba: {  	s31 =	sshll.u32 s1, $0xD;
	s1 =	sshrl.u32 s1, $0x2  }
0xbb: {  	s3 =	sand.u32 $0x4000, s31;
	s1 =	sadd.s32 s1, s30  }
0xbc: {  	s0 =	sor.u32 s3, s0;
	s1 =	sshll.u32 s1, $0x11  }
0xbd: {  	s0 =	sor.u32 s1, s0  }
0xbe: {  	s0 =	sadd.s32 $0x8F2B, s0  }
0xbf: {  	[sflag:s0] =	ssyncadd.remote.s32 $0x1  }
0xc0: {  	_ =	sfence.sel $0xFFFF  }
0xc1: {  	[dreg:$0x0] =	wrdreg $0xFFFFFFFF;
	(pc) =	sbr.abs _section_cstart, $3  }
0xc2: {  	[dreg:$0x1] =	wrdreg $0xFFFFFFFF  }
0xc3: {  	_ =	task.clear_ibuf [dreg:s8], $0x2FFFF;
	_ =	strace $0x9FFFFFFF  }
0xc4: {  	(tm) =	ssettm $0x7FFFFFFF  }
0xc5: {  	_ =	shalt  }
tec
execute0_lowered:
.L_overlay_start_1:
0x0: {  	(tag) =	ssettag $0x1  }
0x1: {  	s0 =	rddreg [dreg:$0x0]  }
0x2: {  	s2 =	rddreg [dreg:$0x1];
	s1 =	srdreg.scid  }
0x3: {  	s7 =	stileid.u32;
	s25 =	rddreg [dreg:$0x2];
	s4 =	simm.s32 $0x0  }
0x4: {  	s8 =	simm.s32 $0xBC00;
	s9 =	simm.s32 $0xDC00;
	s10 =	simm.s32 $0xFC00  }
0x5: {  	s11 =	simm.s32 $0x11C00;
	s13 =	simm.s32 $0x1;
	s14 =	simm.s32 $0x2  }
0x6: {  	s12 =	simm.s32 $0x0;
	s28 =	simm.s32 $0x3C00;
	s1 =	sand.u32 $0x1, s1  }
0x7: {  	s3 =	sshll.u32 s7, $0x1;
	[smem:$0x7FF] =	sst s4;
	s24 =	sshll.u32 s7, $0xF  }
0x8: {  	s29 =	sshll.u32 s7, $0xC;
	s7 =	simm.s32 $0x9C00;
	s3 =	sor.u32 s1, s3  }
0x9: {  	_ =	strace $0x80000047;
	s5 =	smul.u32 $0x380, s3;
	s3 =	sshll.u32 s3, $0xB  }
0xa: {  	s6 =	ssub.s32 $0x2, s1;
	s26 =	sshll.u32 s1, $0xE;
	s16 =	sadd.s32 s25, s3  }
0xb: {  	s30 =	sadd.s32 s29, s25;
	s3 =	sadd.s32 $0x400, s16;
	[dreg:$0x5] =	wrdreg s16  }
0xc: {  	s1 =	sshll.u32 s1, $0xB;
	s17 =	sadd.s32 $0x10000, s16;
	[dreg:$0x6] =	wrdreg s3  }
0xd: {  	s15 =	sshrl.u32 s6, $0x1;
	s18 =	sadd.s32 $0x10400, s16;
	[dreg:$0x7] =	wrdreg s17  }
0xe: {  	s31 =	sadd.s32 s1, s30;
	s19 =	sadd.s32 $0x20000, s16;
	[dreg:$0x8] =	wrdreg s18  }
0xf: {  	s1 =	simm.s32 $0x5C00;
	s20 =	sadd.s32 $0x20400, s16;
	[dreg:$0x9] =	wrdreg s19  }
0x10: {  	s0 =	sadd.s32 s5, s0;
	s21 =	sadd.s32 $0x30000, s16;
	[dreg:$0xa] =	wrdreg s20  }
0x11: {  	s5 =	ssub.s32 s6, s15;
	s22 =	sadd.s32 $0x30400, s16;
	[dreg:$0xb] =	wrdreg s21  }
0x12: {  	s23 =	sadd.s32 $0x40000, s16;
	s15 =	simm.s32 $0x3;
	[dreg:$0xc] =	wrdreg s22  }
0x13: {  	s6 =	simm.s32 $0x5;
	s0 =	sadd.s32 $0x400, s0;
	[dreg:$0xd] =	wrdreg s23  }
0x14: {  	s5 =	smax.u32 s5, $0x1;
	s20 =	simm.s32 $0x40;
	s23 =	simm.s32 $0x1C00  }
0x15: {  	s19 =	simm.s32 $0x6;
	s17 =	simm.s32 $0x7;
	s18 =	simm.s32 $0x8  }
0x16: {  	s3 =	simm.s32 $0x9;
	[dreg:$0x4] =	wrdreg s0;
	s0 =	sadd.s32 $0x40400, s16  }
0x17: {  	s21 =	simm.s32 $0xA;
	[dreg:$0xe] =	wrdreg s0;
	s0 =	sor.u32 s26, s24  }
0x18: {  	s22 =	simm.s32 $0x14;
	[dreg:$0xf] =	wrdreg s5;
	s0 =	sor.u32 $0x280000, s0  }
0x19: {  	s5 =	simm.s32 $0x7C00;
	[dreg:$0x10] =	wrdreg s0;
	s0 =	sadd.s32 $0x90400, s31  }
0x1a: {  	s16 =	simm.s32 $0x4;
	s24 =	simm.s32 $0x3C00;
	[dreg:$0x11] =	wrdreg s0  }
.LBB2_1:
0x1b: {  	[dreg:$0x12] =	wrdreg s12  }
0x1c: {  	s0 =	rddreg [dreg:$0x4];
	s30 =	simm.s32 $0x15  }
0x1d: {  	[tilespmem:s4], [sflag:$0x15] =	stream.linear.gather [hbm4b:s0+s4], $0x1900, $0x38;
	[tilespmem:$0x15C00] =	vst v63  }
0x1e: {  	_ =	swait.ge [sflag:s30], $0x1900  }
0x1f: {  	[sflag:s30] =	ssyncset.done $0x0  }
0x20: {  	[sflag:s30] =	ssyncadd.s32 $0xFFFFE700  }
0x21: {  	[tilespmem:s23], [sflag:$0x1] =	stream.indirect.gather [hbm4b:s2+s20], $0x80, s4, s20, $0xb8;
	[tilespmem:$0x15C00] =	vst v63  }
0x22: {  	_ = 	snop  }
0x23: {  	[tilespmem:s24], [sflag:$0x2] =	stream.indirect.gather [hbm4b:s2+s20], $0x80, s20, s20, $0xb8;
	[tilespmem:$0x15C00] =	vst v63  }
0x24: {  	s12 =	simm.s32 $0x80  }
0x25: {  	[tilespmem:s1], [sflag:$0x3] =	stream.indirect.gather [hbm4b:s2+s20], $0x80, s12, s20, $0xb8;
	[tilespmem:$0x15C00] =	vst v63  }
0x26: {  	s26 =	simm.s32 $0xC0  }
0x27: {  	[tilespmem:s5], [sflag:$0x4] =	stream.indirect.gather [hbm4b:s2+s20], $0x80, s26, s20, $0xb8;
	[tilespmem:$0x15C00] =	vst v63  }
0x28: {  	s30 =	simm.s32 $0x100  }
0x29: {  	[tilespmem:s7], [sflag:$0x5] =	stream.indirect.gather [hbm4b:s2+s20], $0x80, s30, s20, $0xb8;
	[tilespmem:$0x15C00] =	vst v63  }
0x2a: {  	s12 =	simm.s32 $0x140  }
0x2b: {  	[tilespmem:s8], [sflag:$0x6] =	stream.indirect.gather [hbm4b:s2+s20], $0x80, s12, s20, $0xb8;
	[tilespmem:$0x15C00] =	vst v63  }
0x2c: {  	s26 =	simm.s32 $0x180  }
0x2d: {  	[tilespmem:s9], [sflag:$0x7] =	stream.indirect.gather [hbm4b:s2+s20], $0x80, s26, s20, $0xb8;
	[tilespmem:$0x15C00] =	vst v63  }
0x2e: {  	s30 =	simm.s32 $0x1C0  }
0x2f: {  	[tilespmem:s10], [sflag:$0x8] =	stream.indirect.gather [hbm4b:s2+s20], $0x80, s30, s20, $0xb8;
	[tilespmem:$0x15C00] =	vst v63  }
0x30: {  	s12 =	simm.s32 $0x200  }
0x31: {  	[tilespmem:s11], [sflag:$0x9] =	stream.indirect.gather [hbm4b:s2+s20], $0x80, s12, s20, $0xb8;
	[tilespmem:$0x15C00] =	vst v63  }
0x32: {  	s26 =	simm.s32 $0x240;
	s12 =	simm.s32 $0x13C00  }
0x33: {  	[tilespmem:s12], [sflag:$0xA] =	stream.indirect.gather [hbm4b:s2+s20], $0x80, s26, s20, $0xb8;
	[tilespmem:$0x15C00] =	vst v63  }
0x34: {  	_ =	swait.ge [sflag:s13], $0x2000  }
0x35: {  	[sflag:s13] =	ssyncset.done $0x0  }
0x36: {  	s30 =	rddreg [dreg:$0x5];
	[sflag:s13] =	ssyncadd.s32 $0xFFFFE000  }
0x37: {  	[hbm4b:s30+s4] =	stream.linear.scatter [tilespmem:s23], [sflag:$0xB], $0x2000, $0x38;
	[tilespmem:$0x15C00] =	vst v63  }
0x38: {  	_ =	swait.ge [sflag:s14], $0x2000  }
0x39: {  	[sflag:s14] =	ssyncset.done $0x0  }
0x3a: {  	s26 =	rddreg [dreg:$0x6];
	[sflag:s14] =	ssyncadd.s32 $0xFFFFE000  }
0x3b: {  	[hbm4b:s26+s4] =	stream.linear.scatter [tilespmem:s24], [sflag:$0xC], $0x2000, $0x38;
	[tilespmem:$0x15C00] =	vst v63  }
0x3c: {  	_ =	swait.ge [sflag:s15], $0x2000  }
0x3d: {  	[sflag:s15] =	ssyncset.done $0x0  }
0x3e: {  	s30 =	rddreg [dreg:$0x7];
	[sflag:s15] =	ssyncadd.s32 $0xFFFFE000  }
0x3f: {  	[hbm4b:s30+s4] =	stream.linear.scatter [tilespmem:s1], [sflag:$0xD], $0x2000, $0x38;
	[tilespmem:$0x15C00] =	vst v63  }
0x40: {  	_ =	swait.ge [sflag:s16], $0x2000  }
0x41: {  	[sflag:s16] =	ssyncset.done $0x0  }
0x42: {  	s26 =	rddreg [dreg:$0x8];
	[sflag:s16] =	ssyncadd.s32 $0xFFFFE000  }
0x43: {  	[hbm4b:s26+s4] =	stream.linear.scatter [tilespmem:s5], [sflag:$0xE], $0x2000, $0x38;
	[tilespmem:$0x15C00] =	vst v63  }
0x44: {  	_ =	swait.ge [sflag:s6], $0x2000  }
0x45: {  	[sflag:s6] =	ssyncset.done $0x0  }
0x46: {  	s30 =	rddreg [dreg:$0x9];
	[sflag:s6] =	ssyncadd.s32 $0xFFFFE000  }
0x47: {  	[hbm4b:s30+s4] =	stream.linear.scatter [tilespmem:s7], [sflag:$0xF], $0x2000, $0x38;
	[tilespmem:$0x15C00] =	vst v63  }
0x48: {  	_ =	swait.ge [sflag:s19], $0x2000  }
0x49: {  	[sflag:s19] =	ssyncset.done $0x0  }
0x4a: {  	s26 =	rddreg [dreg:$0xa];
	[sflag:s19] =	ssyncadd.s32 $0xFFFFE000  }
0x4b: {  	[hbm4b:s26+s4] =	stream.linear.scatter [tilespmem:s8], [sflag:$0x10], $0x2000, $0x38;
	[tilespmem:$0x15C00] =	vst v63  }
0x4c: {  	_ =	swait.ge [sflag:s17], $0x2000  }
0x4d: {  	[sflag:s17] =	ssyncset.done $0x0  }
0x4e: {  	s30 =	rddreg [dreg:$0xb];
	[sflag:s17] =	ssyncadd.s32 $0xFFFFE000  }
0x4f: {  	[hbm4b:s30+s4] =	stream.linear.scatter [tilespmem:s9], [sflag:$0x11], $0x2000, $0x38;
	[tilespmem:$0x15C00] =	vst v63  }
0x50: {  	_ =	swait.ge [sflag:s18], $0x2000  }
0x51: {  	[sflag:s18] =	ssyncset.done $0x0  }
0x52: {  	s26 =	rddreg [dreg:$0xc];
	[sflag:s18] =	ssyncadd.s32 $0xFFFFE000  }
0x53: {  	[hbm4b:s26+s4] =	stream.linear.scatter [tilespmem:s10], [sflag:$0x12], $0x2000, $0x38;
	[tilespmem:$0x15C00] =	vst v63  }
0x54: {  	_ =	swait.ge [sflag:s3], $0x2000  }
0x55: {  	[sflag:s3] =	ssyncset.done $0x0  }
0x56: {  	s30 =	rddreg [dreg:$0xd];
	[sflag:s3] =	ssyncadd.s32 $0xFFFFE000  }
0x57: {  	[hbm4b:s30+s4] =	stream.linear.scatter [tilespmem:s11], [sflag:$0x13], $0x2000, $0x38;
	[tilespmem:$0x15C00] =	vst v63  }
0x58: {  	_ =	swait.ge [sflag:s21], $0x2000  }
0x59: {  	[sflag:s21] =	ssyncset.done $0x0  }
0x5a: {  	s30 =	simm.s32 $0xB;
	s26 =	rddreg [dreg:$0xe];
	[sflag:s21] =	ssyncadd.s32 $0xFFFFE000  }
0x5b: {  	[hbm4b:s26+s4] =	stream.linear.scatter [tilespmem:s12], [sflag:$0x14], $0x2000, $0x38;
	[tilespmem:$0x15C00] =	vst v63  }
0x5c: {  	_ =	swait.ge [sflag:s30], $0x2000  }
0x5d: {  	[sflag:s30] =	ssyncset.done $0x0  }
0x5e: {  	s26 =	simm.s32 $0x280;
	[sflag:s30] =	ssyncadd.s32 $0xFFFFE000;
	s30 =	simm.s32 $0xC  }
0x5f: {  	[tilespmem:s23], [sflag:$0x1] =	stream.indirect.gather [hbm4b:s2+s20], $0x80, s26, s20, $0xb8;
	[tilespmem:$0x15C00] =	vst v63  }
0x60: {  	_ =	swait.ge [sflag:s30], $0x2000  }
0x61: {  	[sflag:s30] =	ssyncset.done $0x0  }
0x62: {  	s26 =	simm.s32 $0x2C0;
	[sflag:s30] =	ssyncadd.s32 $0xFFFFE000;
	s30 =	simm.s32 $0xD  }
0x63: {  	[tilespmem:s24], [sflag:$0x2] =	stream.indirect.gather [hbm4b:s2+s20], $0x80, s26, s20, $0xb8;
	[tilespmem:$0x15C00] =	vst v63  }
0x64: {  	_ =	swait.ge [sflag:s30], $0x2000  }
0x65: {  	[sflag:s30] =	ssyncset.done $0x0  }
0x66: {  	s26 =	simm.s32 $0x300;
	[sflag:s30] =	ssyncadd.s32 $0xFFFFE000;
	s30 =	simm.s32 $0xE  }
0x67: {  	[tilespmem:s1], [sflag:$0x3] =	stream.indirect.gather [hbm4b:s2+s20], $0x80, s26, s20, $0xb8;
	[tilespmem:$0x15C00] =	vst v63  }
0x68: {  	_ =	swait.ge [sflag:s30], $0x2000  }
0x69: {  	[sflag:s30] =	ssyncset.done $0x0  }
0x6a: {  	s26 =	simm.s32 $0x340;
	[sflag:s30] =	ssyncadd.s32 $0xFFFFE000;
	s30 =	simm.s32 $0xF  }
0x6b: {  	[tilespmem:s5], [sflag:$0x4] =	stream.indirect.gather [hbm4b:s2+s20], $0x80, s26, s20, $0xb8;
	[tilespmem:$0x15C00] =	vst v63  }
0x6c: {  	_ =	swait.ge [sflag:s30], $0x2000  }
0x6d: {  	[sflag:s30] =	ssyncset.done $0x0  }
0x6e: {  	s26 =	simm.s32 $0x380;
	[sflag:s30] =	ssyncadd.s32 $0xFFFFE000;
	s30 =	simm.s32 $0x10  }
0x6f: {  	[tilespmem:s7], [sflag:$0x5] =	stream.indirect.gather [hbm4b:s2+s20], $0x80, s26, s20, $0xb8;
	[tilespmem:$0x15C00] =	vst v63  }
0x70: {  	_ =	swait.ge [sflag:s30], $0x2000  }
0x71: {  	[sflag:s30] =	ssyncset.done $0x0  }
0x72: {  	s26 =	simm.s32 $0x3C0;
	[sflag:s30] =	ssyncadd.s32 $0xFFFFE000;
	s30 =	simm.s32 $0x11  }
0x73: {  	[tilespmem:s8], [sflag:$0x6] =	stream.indirect.gather [hbm4b:s2+s20], $0x80, s26, s20, $0xb8;
	[tilespmem:$0x15C00] =	vst v63  }
0x74: {  	_ =	swait.ge [sflag:s30], $0x2000  }
0x75: {  	[sflag:s30] =	ssyncset.done $0x0  }
0x76: {  	s26 =	simm.s32 $0x400;
	[sflag:s30] =	ssyncadd.s32 $0xFFFFE000;
	s30 =	simm.s32 $0x12  }
0x77: {  	[tilespmem:s9], [sflag:$0x7] =	stream.indirect.gather [hbm4b:s2+s20], $0x80, s26, s20, $0xb8;
	[tilespmem:$0x15C00] =	vst v63  }
0x78: {  	_ =	swait.ge [sflag:s30], $0x2000  }
0x79: {  	[sflag:s30] =	ssyncset.done $0x0  }
0x7a: {  	s26 =	simm.s32 $0x440;
	[sflag:s30] =	ssyncadd.s32 $0xFFFFE000;
	s30 =	simm.s32 $0x13  }
0x7b: {  	[tilespmem:s10], [sflag:$0x8] =	stream.indirect.gather [hbm4b:s2+s20], $0x80, s26, s20, $0xb8;
	[tilespmem:$0x15C00] =	vst v63  }
0x7c: {  	_ =	swait.ge [sflag:s30], $0x2000  }
0x7d: {  	[sflag:s30] =	ssyncset.done $0x0  }
0x7e: {  	s26 =	simm.s32 $0x480;
	[sflag:s30] =	ssyncadd.s32 $0xFFFFE000  }
0x7f: {  	[tilespmem:s11], [sflag:$0x9] =	stream.indirect.gather [hbm4b:s2+s20], $0x80, s26, s20, $0xb8;
	[tilespmem:$0x15C00] =	vst v63  }
0x80: {  	_ =	swait.ge [sflag:s22], $0x2000  }
0x81: {  	[sflag:s22] =	ssyncset.done $0x0  }
0x82: {  	s30 =	simm.s32 $0x4C0;
	[sflag:s22] =	ssyncadd.s32 $0xFFFFE000  }
0x83: {  	[tilespmem:s12], [sflag:$0xA] =	stream.indirect.gather [hbm4b:s2+s20], $0x80, s30, s20, $0xb8;
	[tilespmem:$0x15C00] =	vst v63  }
0x84: {  	_ =	swait.ge [sflag:s13], $0x2000  }
0x85: {  	s26 =	rddreg [dreg:$0x10]  }
0x86: {  	[sflag:s13] =	ssyncset.done $0x0;
	s12 =	sshrl.u32 s26, $0x3  }
0x87: {  	[sflag:s13] =	ssyncadd.s32 $0xFFFFE000;
	s0 =	sadd.s32 s25, s12  }
0x88: {  	[hbm4b:s0+s4] =	stream.linear.scatter [tilespmem:s23], [sflag:$0xB], $0x2000, $0x38;
	[tilespmem:$0x15C00] =	vst v63  }
0x89: {  	_ =	swait.ge [sflag:s14], $0x2000  }
0x8a: {  	[sflag:s14] =	ssyncset.done $0x0  }
0x8b: {  	s0 =	sadd.s32 $0x400, s0;
	[sflag:s14] =	ssyncadd.s32 $0xFFFFE000  }
0x8c: {  	[hbm4b:s0+s4] =	stream.linear.scatter [tilespmem:s24], [sflag:$0xC], $0x2000, $0x38;
	[tilespmem:$0x15C00] =	vst v63  }
0x8d: {  	_ =	swait.ge [sflag:s15], $0x2000  }
0x8e: {  	[sflag:s15] =	ssyncset.done $0x0;
	s31 =	rddreg [dreg:$0x11]  }
0x8f: {  	[sflag:s15] =	ssyncadd.s32 $0xFFFFE000;
	s14 =	sadd.s32 $0xFFFCFC00, s31  }
0x90: {  	[hbm4b:s14+s4] =	stream.linear.scatter [tilespmem:s1], [sflag:$0xD], $0x2000, $0x38;
	[tilespmem:$0x15C00] =	vst v63  }
0x91: {  	_ =	swait.ge [sflag:s16], $0x2000  }
0x92: {  	[sflag:s16] =	ssyncset.done $0x0  }
0x93: {  	s15 =	sadd.s32 $0xFFFD0000, s31;
	[sflag:s16] =	ssyncadd.s32 $0xFFFFE000  }
0x94: {  	[hbm4b:s15+s4] =	stream.linear.scatter [tilespmem:s5], [sflag:$0xE], $0x2000, $0x38;
	[tilespmem:$0x15C00] =	vst v63  }
0x95: {  	_ =	swait.ge [sflag:s6], $0x2000  }
0x96: {  	[sflag:s6] =	ssyncset.done $0x0  }
0x97: {  	s16 =	sadd.s32 $0xFFFDFC00, s31;
	[sflag:s6] =	ssyncadd.s32 $0xFFFFE000  }
0x98: {  	[hbm4b:s16+s4] =	stream.linear.scatter [tilespmem:s7], [sflag:$0xF], $0x2000, $0x38;
	[tilespmem:$0x15C00] =	vst v63  }
0x99: {  	_ =	swait.ge [sflag:s19], $0x2000  }
0x9a: {  	[sflag:s19] =	ssyncset.done $0x0  }
0x9b: {  	[sflag:s19] =	ssyncadd.s32 $0xFFFFE000;
	s19 =	sadd.s32 $0xFFFE0000, s31  }
0x9c: {  	[hbm4b:s19+s4] =	stream.linear.scatter [tilespmem:s8], [sflag:$0x10], $0x2000, $0x38;
	[tilespmem:$0x15C00] =	vst v63  }
0x9d: {  	s13 =	simm.s32 $0x1;
	s26 =	sadd.s32 $0x280000, s26;
	_ =	swait.ge [sflag:s17], $0x2000  }
0x9e: {  	s23 =	sadd.s32 $0xFFFEFC00, s31;
	s24 =	sadd.s32 $0xFFFF0000, s31;
	[sflag:s17] =	ssyncset.done $0x0  }
0x9f: {  	s30 =	sadd.s32 $0xFFFFFC00, s31;
	s29 =	sadd.s32 $0x50000, s31;
	[sflag:s17] =	ssyncadd.s32 $0xFFFFE000  }
0xa0: {  	[hbm4b:s23+s4] =	stream.linear.scatter [tilespmem:s9], [sflag:$0x11], $0x2000, $0x38;
	[tilespmem:$0x15C00] =	vst v63  }
0xa1: {  	s1 =	simm.s32 $0x5C00;
	s14 =	simm.s32 $0x2;
	_ =	swait.ge [sflag:s18], $0x2000  }
0xa2: {  	s5 =	simm.s32 $0x7C00;
	s15 =	simm.s32 $0x3;
	[sflag:s18] =	ssyncset.done $0x0  }
0xa3: {  	s6 =	simm.s32 $0x5;
	s7 =	simm.s32 $0x9C00;
	[sflag:s18] =	ssyncadd.s32 $0xFFFFE000  }
0xa4: {  	[hbm4b:s24+s4] =	stream.linear.scatter [tilespmem:s10], [sflag:$0x12], $0x2000, $0x38;
	[tilespmem:$0x15C00] =	vst v63  }
0xa5: {  	s16 =	simm.s32 $0x4;
	s8 =	simm.s32 $0xBC00;
	_ =	swait.ge [sflag:s3], $0x2000  }
0xa6: {  	s19 =	simm.s32 $0x6;
	s17 =	simm.s32 $0x7;
	[sflag:s3] =	ssyncset.done $0x0  }
0xa7: {  	s23 =	simm.s32 $0x1C00;
	s9 =	simm.s32 $0xDC00;
	[sflag:s3] =	ssyncadd.s32 $0xFFFFE000  }
0xa8: {  	[hbm4b:s30+s4] =	stream.linear.scatter [tilespmem:s11], [sflag:$0x13], $0x2000, $0x38;
	[tilespmem:$0x15C00] =	vst v63  }
0xa9: {  	s18 =	simm.s32 $0x8;
	s10 =	simm.s32 $0xFC00;
	_ =	swait.ge [sflag:s21], $0x2000  }
0xaa: {  	s24 =	simm.s32 $0xA00;
	s3 =	simm.s32 $0x9;
	[sflag:s21] =	ssyncset.done $0x0  }
0xab: {  	s11 =	simm.s32 $0x11C00;
	[sflag:s21] =	ssyncadd.s32 $0xFFFFE000;
	s21 =	simm.s32 $0xA  }
.LBB2_2:
0xac: {  	s12 =	simm.s32 $0x13C00  }
0xad: {  	[hbm4b:s31+s4] =	stream.linear.scatter [tilespmem:s12], [sflag:$0x14], $0x2000, $0x38;
	[tilespmem:$0x15C00] =	vst v63  }
0xae: {  	s0 =	smov.u32 s24;
	s30 =	simm.s32 $0xB;
	s31 =	smov.u32 s29  }
0xaf: {  	p0 =	sne.s32 s24, $0x5000;
	s24 =	sadd.s32 $0xA00, s24;
	_ =	swait.ge [sflag:s30], $0x2000  }
0xb0: {  	s0 =	sshra.s32 s0, $0x2;
	[sflag:s30] =	ssyncset.done $0x0  }
0xb1: {  	[sflag:s30] =	ssyncadd.s32 $0xFFFFE000;
	s30 =	smov.u32 s25;
	s25 =	sadd.s32 $0x280, s0  }
0xb2: {  	[tilespmem:s23], [sflag:$0x1] =	stream.indirect.gather [hbm4b:s2+s20], $0x80, s25, s20, $0xb8;
	[tilespmem:$0x15C00] =	vst v63  }
0xb3: {  	s25 =	simm.s32 $0xC  }
0xb4: {  	_ =	swait.ge [sflag:s25], $0x2000  }
0xb5: {  	[sflag:s25] =	ssyncset.done $0x0  }
0xb6: {  	[sflag:s25] =	ssyncadd.s32 $0xFFFFE000;
	s25 =	sadd.s32 $0x2C0, s0  }
0xb7: {  	[tilespmem:s28], [sflag:$0x2] =	stream.indirect.gather [hbm4b:s2+s20], $0x80, s25, s20, $0xb8;
	[tilespmem:$0x15C00] =	vst v63  }
0xb8: {  	s25 =	simm.s32 $0xD  }
0xb9: {  	_ =	swait.ge [sflag:s25], $0x2000  }
0xba: {  	[sflag:s25] =	ssyncset.done $0x0  }
0xbb: {  	[sflag:s25] =	ssyncadd.s32 $0xFFFFE000;
	s25 =	sadd.s32 $0x300, s0  }
0xbc: {  	[tilespmem:s1], [sflag:$0x3] =	stream.indirect.gather [hbm4b:s2+s20], $0x80, s25, s20, $0xb8;
	[tilespmem:$0x15C00] =	vst v63  }
0xbd: {  	s25 =	simm.s32 $0xE  }
0xbe: {  	_ =	swait.ge [sflag:s25], $0x2000  }
0xbf: {  	[sflag:s25] =	ssyncset.done $0x0  }
0xc0: {  	[sflag:s25] =	ssyncadd.s32 $0xFFFFE000;
	s25 =	sadd.s32 $0x340, s0  }
0xc1: {  	[tilespmem:s5], [sflag:$0x4] =	stream.indirect.gather [hbm4b:s2+s20], $0x80, s25, s20, $0xb8;
	[tilespmem:$0x15C00] =	vst v63  }
0xc2: {  	s25 =	simm.s32 $0xF  }
0xc3: {  	_ =	swait.ge [sflag:s25], $0x2000  }
0xc4: {  	[sflag:s25] =	ssyncset.done $0x0  }
0xc5: {  	[sflag:s25] =	ssyncadd.s32 $0xFFFFE000;
	s25 =	sadd.s32 $0x380, s0  }
0xc6: {  	[tilespmem:s7], [sflag:$0x5] =	stream.indirect.gather [hbm4b:s2+s20], $0x80, s25, s20, $0xb8;
	[tilespmem:$0x15C00] =	vst v63  }
0xc7: {  	s25 =	simm.s32 $0x10  }
0xc8: {  	_ =	swait.ge [sflag:s25], $0x2000  }
0xc9: {  	[sflag:s25] =	ssyncset.done $0x0  }
0xca: {  	[sflag:s25] =	ssyncadd.s32 $0xFFFFE000;
	s25 =	sadd.s32 $0x3C0, s0  }
0xcb: {  	[tilespmem:s8], [sflag:$0x6] =	stream.indirect.gather [hbm4b:s2+s20], $0x80, s25, s20, $0xb8;
	[tilespmem:$0x15C00] =	vst v63  }
0xcc: {  	s25 =	simm.s32 $0x11  }
0xcd: {  	_ =	swait.ge [sflag:s25], $0x2000  }
0xce: {  	[sflag:s25] =	ssyncset.done $0x0  }
0xcf: {  	[sflag:s25] =	ssyncadd.s32 $0xFFFFE000;
	s25 =	sadd.s32 $0x400, s0  }
0xd0: {  	[tilespmem:s9], [sflag:$0x7] =	stream.indirect.gather [hbm4b:s2+s20], $0x80, s25, s20, $0xb8;
	[tilespmem:$0x15C00] =	vst v63  }
0xd1: {  	s25 =	simm.s32 $0x12  }
0xd2: {  	_ =	swait.ge [sflag:s25], $0x2000  }
0xd3: {  	[sflag:s25] =	ssyncset.done $0x0  }
0xd4: {  	[sflag:s25] =	ssyncadd.s32 $0xFFFFE000;
	s25 =	sadd.s32 $0x440, s0  }
0xd5: {  	[tilespmem:s10], [sflag:$0x8] =	stream.indirect.gather [hbm4b:s2+s20], $0x80, s25, s20, $0xb8;
	[tilespmem:$0x15C00] =	vst v63  }
0xd6: {  	s25 =	simm.s32 $0x13  }
0xd7: {  	_ =	swait.ge [sflag:s25], $0x2000  }
0xd8: {  	[sflag:s25] =	ssyncset.done $0x0  }
0xd9: {  	[sflag:s25] =	ssyncadd.s32 $0xFFFFE000;
	s25 =	sadd.s32 $0x480, s0  }
0xda: {  	[tilespmem:s11], [sflag:$0x9] =	stream.indirect.gather [hbm4b:s2+s20], $0x80, s25, s20, $0xb8;
	[tilespmem:$0x15C00] =	vst v63  }
0xdb: {  	s25 =	smov.u32 s30  }
0xdc: {  	_ =	swait.ge [sflag:s22], $0x2000  }
0xdd: {  	[sflag:s22] =	ssyncset.done $0x0  }
0xde: {  	s0 =	sadd.s32 $0x4C0, s0;
	s30 =	simm.s32 $0x13C00;
	[sflag:s22] =	ssyncadd.s32 $0xFFFFE000  }
0xdf: {  	[tilespmem:s12], [sflag:$0xA] =	stream.indirect.gather [hbm4b:s2+s20], $0x80, s0, s20, $0xb8;
	[tilespmem:$0x15C00] =	vst v63  }
0xe0: {  	_ =	swait.ge [sflag:s13], $0x2000  }
0xe1: {  	s0 =	sshrl.u32 s26, $0x3;
	[sflag:s13] =	ssyncset.done $0x0  }
0xe2: {  	s0 =	sadd.s32 s25, s0;
	[sflag:s13] =	ssyncadd.s32 $0xFFFFE000  }
0xe3: {  	[hbm4b:s0+s4] =	stream.linear.scatter [tilespmem:s23], [sflag:$0xB], $0x2000, $0x38;
	[tilespmem:$0x15C00] =	vst v63  }
0xe4: {  	_ =	swait.ge [sflag:s14], $0x2000  }
0xe5: {  	[sflag:s14] =	ssyncset.done $0x0  }
0xe6: {  	s0 =	sadd.s32 $0x400, s0;
	[sflag:s14] =	ssyncadd.s32 $0xFFFFE000  }
0xe7: {  	[hbm4b:s0+s4] =	stream.linear.scatter [tilespmem:s28], [sflag:$0xC], $0x2000, $0x38;
	[tilespmem:$0x15C00] =	vst v63  }
0xe8: {  	_ =	swait.ge [sflag:s15], $0x2000  }
0xe9: {  	[sflag:s15] =	ssyncset.done $0x0  }
0xea: {  	s0 =	sadd.s32 $0xFFFCFC00, s29;
	[sflag:s15] =	ssyncadd.s32 $0xFFFFE000  }
0xeb: {  	[hbm4b:s0+s4] =	stream.linear.scatter [tilespmem:s1], [sflag:$0xD], $0x2000, $0x38;
	[tilespmem:$0x15C00] =	vst v63  }
0xec: {  	_ =	swait.ge [sflag:s16], $0x2000  }
0xed: {  	[sflag:s16] =	ssyncset.done $0x0  }
0xee: {  	s0 =	sadd.s32 $0xFFFD0000, s29;
	[sflag:s16] =	ssyncadd.s32 $0xFFFFE000  }
0xef: {  	[hbm4b:s0+s4] =	stream.linear.scatter [tilespmem:s5], [sflag:$0xE], $0x2000, $0x38;
	[tilespmem:$0x15C00] =	vst v63  }
0xf0: {  	_ =	swait.ge [sflag:s6], $0x2000  }
0xf1: {  	[sflag:s6] =	ssyncset.done $0x0  }
0xf2: {  	s0 =	sadd.s32 $0xFFFDFC00, s29;
	[sflag:s6] =	ssyncadd.s32 $0xFFFFE000  }
0xf3: {  	[hbm4b:s0+s4] =	stream.linear.scatter [tilespmem:s7], [sflag:$0xF], $0x2000, $0x38;
	[tilespmem:$0x15C00] =	vst v63  }
0xf4: {  	_ =	swait.ge [sflag:s19], $0x2000  }
0xf5: {  	[sflag:s19] =	ssyncset.done $0x0  }
0xf6: {  	s0 =	sadd.s32 $0xFFFE0000, s29;
	[sflag:s19] =	ssyncadd.s32 $0xFFFFE000  }
0xf7: {  	[hbm4b:s0+s4] =	stream.linear.scatter [tilespmem:s8], [sflag:$0x10], $0x2000, $0x38;
	[tilespmem:$0x15C00] =	vst v63  }
0xf8: {  	_ =	swait.ge [sflag:s17], $0x2000  }
0xf9: {  	[sflag:s17] =	ssyncset.done $0x0  }
0xfa: {  	s0 =	sadd.s32 $0xFFFEFC00, s29;
	[sflag:s17] =	ssyncadd.s32 $0xFFFFE000  }
0xfb: {  	[hbm4b:s0+s4] =	stream.linear.scatter [tilespmem:s9], [sflag:$0x11], $0x2000, $0x38;
	[tilespmem:$0x15C00] =	vst v63  }
0xfc: {  	_ =	swait.ge [sflag:s18], $0x2000  }
0xfd: {  	[sflag:s18] =	ssyncset.done $0x0  }
0xfe: {  	s0 =	sadd.s32 $0xFFFF0000, s29;
	[sflag:s18] =	ssyncadd.s32 $0xFFFFE000  }
0xff: {  	[hbm4b:s0+s4] =	stream.linear.scatter [tilespmem:s10], [sflag:$0x12], $0x2000, $0x38;
	[tilespmem:$0x15C00] =	vst v63  }
0x100: {  	_ =	swait.ge [sflag:s3], $0x2000  }
0x101: {  	[sflag:s3] =	ssyncset.done $0x0  }
.Ltmp0:
0x102: {  	s0 =	sadd.s32 $0xFFFFFC00, s29;
	[sflag:s3] =	ssyncadd.s32 $0xFFFFE000;
	(pc) =	sbr.rel @p0 .LBB2_2-.Ltmp0, $4  }
0x103: {  	[hbm4b:s0+s4] =	stream.linear.scatter [tilespmem:s11], [sflag:$0x13], $0x2000, $0x38;
	[tilespmem:$0x15C00] =	vst v63  }
0x104: {  	_ =	swait.ge [sflag:s21], $0x2000  }
0x105: {  	[sflag:s21] =	ssyncset.done $0x0  }
0x106: {  	s26 =	sadd.s32 $0x280000, s26;
	s29 =	sadd.s32 $0x50000, s29;
	[sflag:s21] =	ssyncadd.s32 $0xFFFFE000  }
0x107: {  	[hbm4b:s31+s4] =	stream.linear.scatter [tilespmem:s30], [sflag:$0x14], $0x2000, $0x38;
	[tilespmem:$0x15C00] =	vst v63  }
0x108: {  	s0 =	simm.s32 $0xB  }
0x109: {  	_ =	swait.ge [sflag:s0], $0x2000  }
0x10a: {  	[sflag:s0] =	ssyncset.done $0x0  }
0x10b: {  	s18 =	simm.s32 $0xC;
	[sflag:s0] =	ssyncadd.s32 $0xFFFFE000  }
0x10c: {  	_ =	swait.ge [sflag:s18], $0x2000  }
0x10d: {  	[sflag:s18] =	ssyncset.done $0x0  }
0x10e: {  	s19 =	simm.s32 $0xD;
	[sflag:s18] =	ssyncadd.s32 $0xFFFFE000  }
0x10f: {  	_ =	swait.ge [sflag:s19], $0x2000  }
0x110: {  	[sflag:s19] =	ssyncset.done $0x0  }
0x111: {  	s21 =	simm.s32 $0xE;
	[sflag:s19] =	ssyncadd.s32 $0xFFFFE000  }
0x112: {  	_ =	swait.ge [sflag:s21], $0x2000  }
0x113: {  	[sflag:s21] =	ssyncset.done $0x0  }
0x114: {  	s23 =	simm.s32 $0xF;
	[sflag:s21] =	ssyncadd.s32 $0xFFFFE000  }
0x115: {  	_ =	swait.ge [sflag:s23], $0x2000  }
0x116: {  	[sflag:s23] =	ssyncset.done $0x0  }
0x117: {  	s24 =	simm.s32 $0x10;
	[sflag:s23] =	ssyncadd.s32 $0xFFFFE000  }
0x118: {  	_ =	swait.ge [sflag:s24], $0x2000  }
0x119: {  	[sflag:s24] =	ssyncset.done $0x0  }
0x11a: {  	s26 =	simm.s32 $0x11;
	[sflag:s24] =	ssyncadd.s32 $0xFFFFE000  }
0x11b: {  	_ =	swait.ge [sflag:s26], $0x2000  }
0x11c: {  	[sflag:s26] =	ssyncset.done $0x0  }
0x11d: {  	s29 =	simm.s32 $0x12;
	[sflag:s26] =	ssyncadd.s32 $0xFFFFE000  }
0x11e: {  	_ =	swait.ge [sflag:s29], $0x2000  }
0x11f: {  	[sflag:s29] =	ssyncset.done $0x0  }
0x120: {  	s30 =	simm.s32 $0x13;
	[sflag:s29] =	ssyncadd.s32 $0xFFFFE000  }
0x121: {  	_ =	swait.ge [sflag:s30], $0x2000  }
0x122: {  	[sflag:s30] =	ssyncset.done $0x0  }
0x123: {  	[sflag:s30] =	ssyncadd.s32 $0xFFFFE000  }
0x124: {  	s1 =	simm.s32 $0x5C00;
	s5 =	simm.s32 $0x7C00;
	_ =	swait.ge [sflag:s22], $0x2000  }
0x125: {  	s7 =	simm.s32 $0x9C00;
	s8 =	simm.s32 $0xBC00;
	s12 =	rddreg [dreg:$0x12]  }
0x126: {  	s9 =	simm.s32 $0xDC00;
	s31 =	rddreg [dreg:$0xf];
	s12 =	sadd.s32 $0x1, s12  }
0x127: {  	s10 =	simm.s32 $0xFC00;
	s11 =	simm.s32 $0x11C00;
	p0 =	sne.s32 s12, s31  }
.Ltmp1:
0x128: {  	s13 =	simm.s32 $0x1;
	s14 =	simm.s32 $0x2;
	(pc) =	sbr.rel @p0 .LBB2_1-.Ltmp1, $4  }
0x129: {  	s15 =	simm.s32 $0x3;
	s16 =	simm.s32 $0x4;
	s6 =	simm.s32 $0x5  }
0x12a: {  	s17 =	simm.s32 $0x7;
	s3 =	simm.s32 $0x9;
	s18 =	simm.s32 $0x8  }
0x12b: {  	s19 =	simm.s32 $0x6;
	s21 =	simm.s32 $0xA;
	[sflag:s22] =	ssyncset.done $0x0  }
0x12c: {  	s23 =	simm.s32 $0x1C00;
	s24 =	simm.s32 $0x3C00;
	[sflag:s22] =	ssyncadd.s32 $0xFFFFE000  }
0x12d: {  	_ =	sfence.sel $0x180000  }
0x12e: {  	[bflag:$0x0] =	sbarrier.arrive $0xFFFF  }
0x12f: {  	_ =	strace $0x90000047  }
0x130: {  	s0 =	stileid.u32;
	[bflag:$0x2] =	sbarrier.arrive $0xFFFF  }
0x131: {  	p0 =	sne.s32 s0, $0x0;
	s0 =	rddreg [dreg:$0x3]  }
0x132: {  	s0 =	sadd.s32 @!p0 $0x100000, s0  }
0x133: {  	[sflag:s0] =	ssyncadd.tile.s32 @!p0 $0x1;
	_ =	shalt  }
.Lfunc_end2:
_tile_overlayer_lowered:
.L_overlay_start_2:
0x134: {  	(tag) =	ssettag $0x2  }
0x135: {  	s0 =	rddreg [dreg:$0x0];
	s2 =	stileid.u32  }
0x136: {  	s1 =	rddreg [dreg:$0x1];
	p0 =	sne.s32 s2, $0x0  }
0x137: {  	s3 =	rddreg [dreg:$0x2];
	[bflag:$0x3] =	sbarrier.arrive $0xFFFF;
	s2 =	simm.s32 @!p0 $0x1C15  }
0x138: {  	[timem:s3], [sflag:s2] =	dma.local @!p0 [hbm:s0], s1  }
0x139: {  	s0 =	simm.s32 @!p0 $0x15  }
0x13a: {  	_ =	swait.ge @!p0 [sflag:s0], s1  }
0x13b: {  	s1 =	ssub.s32 @!p0 $0x0, s1;
	[sflag:s0] =	ssyncset.done @!p0 $0x0  }
0x13c: {  	[sflag:s0] =	ssyncadd.s32 @!p0 s1  }
0x13d: {  	[bflag:$0x3] =	sbarrier.arrive $0xFFFF  }
0x13e: {  	_ =	shalt  }

</sc_bundles>
